<compile_context>
chip_gen: v7x
topology: tpu7x:2x2x1
jax: 0.10.2.dev20260603
libtpu: 0.0.44.dev20260713+nightly
codegen_flags: <defaults>
</compile_context>

<pallas_src>
import functools

import jax
import jax.numpy as jnp
from jax import lax
from jax.experimental import pallas as pl
from jax.experimental.pallas import tpu as pltpu
from jax.experimental.pallas import tpu_sc as plsc

EMB = 64
SCALE = 8.0

NC = 2
NS = 16
NW = NC * NS
NBUF = 4
HALF = 2


def _make_emb(n_b, n_l):
    b_per_w = n_b // NW
    segs = []
    off = 0
    while off < n_l:
        s = min(128, n_l - off)
        s -= s % 8
        segs.append((off, s))
        off += s
    vpb = n_l * EMB // 16
    mesh = plsc.VectorSubcoreMesh(core_axis_name="c", subcore_axis_name="s")

    @functools.partial(
        pl.kernel,
        mesh=mesh,
        out_type=jax.ShapeDtypeStruct((n_b, n_l, EMB), jnp.float32),
        compiler_params=pltpu.CompilerParams(use_tc_tiling_on_sc=False),
        scratch_types=[
            pltpu.VMEM((b_per_w, n_l), jnp.int32),
            [pltpu.VMEM((n_l, EMB), jnp.float32) for _ in range(NBUF)],
            [pltpu.SemaphoreType.DMA for _ in range(NBUF)],
            [pltpu.SemaphoreType.DMA for _ in range(NBUF)],
        ],
    )
    def emb_kernel(idx_hbm, table_hbm, out_hbm, idx_v, bufs, gsems, ssems):
        wid = lax.axis_index("s") * NC + lax.axis_index("c")
        base = wid * b_per_w
        pltpu.sync_copy(idx_hbm.at[pl.ds(base, b_per_w)], idx_v)

        def gather(j, b, sem):
            for off, s in segs:
                pltpu.async_copy(
                    table_hbm.at[idx_v.at[j, pl.ds(off, s)]],
                    bufs[b].at[pl.ds(off, s)], sem)

        def gather_wait(j, b, sem):
            for off, s in segs:
                pltpu.make_async_copy(
                    table_hbm.at[idx_v.at[j, pl.ds(off, s)]],
                    bufs[b].at[pl.ds(off, s)], sem).wait()

        def store(j, b, sem):
            return pltpu.make_async_copy(bufs[b], out_hbm.at[base + j], sem)

        for b in range(NBUF - 1):
            gather(b, b, gsems[b])

        @pl.loop(0, b_per_w // NBUF)
        def group(g):
            for b in range(NBUF):
                j = g * NBUF + b
                gather_wait(j, b, gsems[b])

                @plsc.parallel_loop(0, vpb, unroll=8)
                def scale(i):
                    r = i >> 2
                    sl = pl.ds((i & 3) * 16, 16)
                    bufs[b][r, sl] = bufs[b][r, sl] * SCALE

                store(j, b, ssems[b]).start()

                bn = (b + NBUF - 1) % NBUF

                @pl.when(j + NBUF - 1 < b_per_w)
                def _():
                    @pl.when(j >= 1)
                    def _():
                        store(j - 1, bn, ssems[bn]).wait()
                    gather(j + NBUF - 1, bn, gsems[bn])

        for jj in range(b_per_w - NBUF, b_per_w):
            store(jj, jj % NBUF, ssems[jj % NBUF]).wait()

    return emb_kernel


def kernel(x, table):
    n_b, n_l = x.shape
    return _make_emb(n_b, n_l)(x.astype(jnp.int32), table)

# --- scband reference (transcript-rebuilt; emitter-appended) ---
"""Pipeline reference for scband-embedding-56341380989621 (READ-ONLY COPY).

The authoritative reference and input builder live on the scoring server;
editing this copy changes nothing except your own understanding.
"""

import jax, jax.numpy as jnp
import numpy as np

VOCAB = 1000000
EMB = 64
D_MODEL = 64
B = 1024
L = 200


def setup_inputs(seed: int = 0) -> dict:
    key = jax.random.key(seed)
    k1, k2 = jax.random.split(key)
    x = jax.random.randint(k1, (B, L), 0, VOCAB)
    # Frozen embedding table (embedding_matrix passed to __init__ in the original)
    table = jax.random.normal(k2, (VOCAB, EMB), dtype=jnp.float32)
    return {"x": x, "table": table}


def reference(x, table):
    # transformer branch: emb = embedding(x); emb *= sqrt(d_model)
    # With a rank-2 index input, emb is rank-3, so the positional-encoding
    # (rank-4) branch is not taken and the scaled embedding is returned.
    emb = jnp.take(table, x, axis=0)
    emb = emb * jnp.sqrt(jnp.asarray(D_MODEL, dtype=emb.dtype))
    return emb

if __name__ == "__main__":
    import jax
    _d = setup_inputs()
    print(jax.jit(kernel)(*tuple(_d.values())))

</pallas_src>

<mosaic_0001>
#map = affine_map<(d0, d1) -> (0, 0)>
#map1 = affine_map<(d0, d1) -> (0, 0, 0)>
module attributes {stable_mosaic.version = 14 : i64} {
  func.func @emb_kernel(%arg0: i32, %arg1: i32, %arg2: memref<1024x200xi32, #tpu.memory_space<hbm>>, %arg3: memref<1000000x64xf32, #tpu.memory_space<hbm>>, %arg4: memref<1024x200x64xf32, #tpu.memory_space<hbm>>, %arg5: memref<32x200xi32, #tpu.memory_space<vmem>>, %arg6: memref<200x64xf32, #tpu.memory_space<vmem>>, %arg7: memref<200x64xf32, #tpu.memory_space<vmem>>, %arg8: memref<200x64xf32, #tpu.memory_space<vmem>>, %arg9: memref<200x64xf32, #tpu.memory_space<vmem>>, %arg10: memref<!tpu.dma_semaphore, #tpu.memory_space<semaphore_mem>>, %arg11: memref<!tpu.dma_semaphore, #tpu.memory_space<semaphore_mem>>, %arg12: memref<!tpu.dma_semaphore, #tpu.memory_space<semaphore_mem>>, %arg13: memref<!tpu.dma_semaphore, #tpu.memory_space<semaphore_mem>>, %arg14: memref<!tpu.dma_semaphore, #tpu.memory_space<semaphore_mem>>, %arg15: memref<!tpu.dma_semaphore, #tpu.memory_space<semaphore_mem>>, %arg16: memref<!tpu.dma_semaphore, #tpu.memory_space<semaphore_mem>>, %arg17: memref<!tpu.dma_semaphore, #tpu.memory_space<semaphore_mem>>) attributes {dimension_semantics = [#tpu.dimension_semantics<core_parallel>, #tpu.dimension_semantics<subcore_parallel>], iteration_bounds = array<i64: 2, 16>, scalar_prefetch = 0 : i64, scratch_operands = 13 : i64, tpu.core_type = #tpu.core_type<sc_vector_subcore>, window_params = [{transform_indices = #map}, {transform_indices = #map}, {transform_indices = #map1}]} {
    %mul3A = arith.constant 2 : i32
    %mul3A_0 = arith.muli %arg1, %mul3A : i32
    %add3A = arith.addi %mul3A_0, %arg0 : i32
    %mul3A_1 = arith.constant 32 : i32
    %mul3A_2 = arith.muli %add3A, %mul3A_1 : i32
    "tpu.region"() ({
      %run_scoped3A = tpu.sem_alloc : memref<!tpu.dma_semaphore, #tpu.memory_space<semaphore_mem>>
      %dma_start3A_105 = arith.constant 0 : i32
      %dma_start3A_106 = tpu.memref_slice %arg2[%mul3A_2, %dma_start3A_105] : memref<1024x200xi32, #tpu.memory_space<hbm>> -> memref<32x200xi32, #tpu.memory_space<hbm>>
      %dma_start3A_107 = arith.constant 0 : i32
      %dma_start3A_108 = tpu.memref_slice %arg2[%mul3A_2, %dma_start3A_107] : memref<1024x200xi32, #tpu.memory_space<hbm>> -> memref<32x200xi32, #tpu.memory_space<hbm>>
      tpu.enqueue_dma source(%dma_start3A_108 : memref<32x200xi32, #tpu.memory_space<hbm>>) target(%arg5 : memref<32x200xi32, #tpu.memory_space<vmem>>) target_semaphore(%run_scoped3A : memref<!tpu.dma_semaphore, #tpu.memory_space<semaphore_mem>>)
      %dma_wait3A_109 = arith.constant 0 : i32
      %dma_wait3A_110 = tpu.memref_slice %arg2[%mul3A_2, %dma_wait3A_109] : memref<1024x200xi32, #tpu.memory_space<hbm>> -> memref<32x200xi32, #tpu.memory_space<hbm>>
      %dma_wait3A_111 = arith.constant 0 : i32
      %dma_wait3A_112 = tpu.memref_slice %arg2[%mul3A_2, %dma_wait3A_111] : memref<1024x200xi32, #tpu.memory_space<hbm>> -> memref<32x200xi32, #tpu.memory_space<hbm>>
      tpu.wait_dma2 semaphore(%run_scoped3A : memref<!tpu.dma_semaphore, #tpu.memory_space<semaphore_mem>>) src(%dma_wait3A_112 : memref<32x200xi32, #tpu.memory_space<hbm>>) dst(%arg5 : memref<32x200xi32, #tpu.memory_space<vmem>>)
      tpu.yield
    }) : () -> ()
    %dma_start3A = arith.constant 0 : i32
    %dma_start3A_3 = arith.constant 0 : i32
    %dma_start3A_4 = arith.constant 0 : i32
    %dma_start3A_5 = tpu.memref_slice %arg6[%dma_start3A_3, %dma_start3A_4] : memref<200x64xf32, #tpu.memory_space<vmem>> -> memref<128x64xf32, #tpu.memory_space<vmem>>
    %dma_start3A_6 = arith.constant 0 : i32
    %dma_start3A_7 = tpu.memref_slice %arg5[%dma_start3A, %dma_start3A_6] : memref<32x200xi32, #tpu.memory_space<vmem>> -> memref<1x128xi32, #tpu.memory_space<vmem>>
    %dma_start3A_8 = tpu.memref_squeeze %dma_start3A_7 : memref<1x128xi32, #tpu.memory_space<vmem>> -> memref<128xi32, #tpu.memory_space<vmem>>
    %dma_start3A_9 = arith.constant 0 : i32
    %dma_start3A_10 = arith.constant 0 : i32
    %dma_start3A_11 = tpu.memref_slice %arg3[%dma_start3A_9, %dma_start3A_10] : memref<1000000x64xf32, #tpu.memory_space<hbm>> -> memref<1000000x64xf32, #tpu.memory_space<hbm>>
    tpu.enqueue_indirect_dma source(%dma_start3A_11 : memref<1000000x64xf32, #tpu.memory_space<hbm>>) target(%dma_start3A_5 : memref<128x64xf32, #tpu.memory_space<vmem>>) offsets(%dma_start3A_8 : memref<128xi32, #tpu.memory_space<vmem>>) semaphore(%arg10 : memref<!tpu.dma_semaphore, #tpu.memory_space<semaphore_mem>>)
    %dma_start3A_12 = arith.constant 0 : i32
    %dma_start3A_13 = arith.constant 128 : i32
    %dma_start3A_14 = arith.constant 0 : i32
    %dma_start3A_15 = tpu.memref_slice %arg6[%dma_start3A_13, %dma_start3A_14] : memref<200x64xf32, #tpu.memory_space<vmem>> -> memref<72x64xf32, #tpu.memory_space<vmem>>
    %dma_start3A_16 = arith.constant 128 : i32
    %dma_start3A_17 = tpu.memref_slice %arg5[%dma_start3A_12, %dma_start3A_16] : memref<32x200xi32, #tpu.memory_space<vmem>> -> memref<1x72xi32, #tpu.memory_space<vmem>>
    %dma_start3A_18 = tpu.memref_squeeze %dma_start3A_17 : memref<1x72xi32, #tpu.memory_space<vmem>> -> memref<72xi32, #tpu.memory_space<vmem>>
    %dma_start3A_19 = arith.constant 0 : i32
    %dma_start3A_20 = arith.constant 0 : i32
    %dma_start3A_21 = tpu.memref_slice %arg3[%dma_start3A_19, %dma_start3A_20] : memref<1000000x64xf32, #tpu.memory_space<hbm>> -> memref<1000000x64xf32, #tpu.memory_space<hbm>>
    tpu.enqueue_indirect_dma source(%dma_start3A_21 : memref<1000000x64xf32, #tpu.memory_space<hbm>>) target(%dma_start3A_15 : memref<72x64xf32, #tpu.memory_space<vmem>>) offsets(%dma_start3A_18 : memref<72xi32, #tpu.memory_space<vmem>>) semaphore(%arg10 : memref<!tpu.dma_semaphore, #tpu.memory_space<semaphore_mem>>)
    %dma_start3A_22 = arith.constant 1 : i32
    %dma_start3A_23 = arith.constant 0 : i32
    %dma_start3A_24 = arith.constant 0 : i32
    %dma_start3A_25 = tpu.memref_slice %arg7[%dma_start3A_23, %dma_start3A_24] : memref<200x64xf32, #tpu.memory_space<vmem>> -> memref<128x64xf32, #tpu.memory_space<vmem>>
    %dma_start3A_26 = arith.constant 0 : i32
    %dma_start3A_27 = tpu.memref_slice %arg5[%dma_start3A_22, %dma_start3A_26] : memref<32x200xi32, #tpu.memory_space<vmem>> -> memref<1x128xi32, #tpu.memory_space<vmem>>
    %dma_start3A_28 = tpu.memref_squeeze %dma_start3A_27 : memref<1x128xi32, #tpu.memory_space<vmem>> -> memref<128xi32, #tpu.memory_space<vmem>>
    %dma_start3A_29 = arith.constant 0 : i32
    %dma_start3A_30 = arith.constant 0 : i32
    %dma_start3A_31 = tpu.memref_slice %arg3[%dma_start3A_29, %dma_start3A_30] : memref<1000000x64xf32, #tpu.memory_space<hbm>> -> memref<1000000x64xf32, #tpu.memory_space<hbm>>
    tpu.enqueue_indirect_dma source(%dma_start3A_31 : memref<1000000x64xf32, #tpu.memory_space<hbm>>) target(%dma_start3A_25 : memref<128x64xf32, #tpu.memory_space<vmem>>) offsets(%dma_start3A_28 : memref<128xi32, #tpu.memory_space<vmem>>) semaphore(%arg11 : memref<!tpu.dma_semaphore, #tpu.memory_space<semaphore_mem>>)
    %dma_start3A_32 = arith.constant 1 : i32
    %dma_start3A_33 = arith.constant 128 : i32
    %dma_start3A_34 = arith.constant 0 : i32
    %dma_start3A_35 = tpu.memref_slice %arg7[%dma_start3A_33, %dma_start3A_34] : memref<200x64xf32, #tpu.memory_space<vmem>> -> memref<72x64xf32, #tpu.memory_space<vmem>>
    %dma_start3A_36 = arith.constant 128 : i32
    %dma_start3A_37 = tpu.memref_slice %arg5[%dma_start3A_32, %dma_start3A_36] : memref<32x200xi32, #tpu.memory_space<vmem>> -> memref<1x72xi32, #tpu.memory_space<vmem>>
    %dma_start3A_38 = tpu.memref_squeeze %dma_start3A_37 : memref<1x72xi32, #tpu.memory_space<vmem>> -> memref<72xi32, #tpu.memory_space<vmem>>
    %dma_start3A_39 = arith.constant 0 : i32
    %dma_start3A_40 = arith.constant 0 : i32
    %dma_start3A_41 = tpu.memref_slice %arg3[%dma_start3A_39, %dma_start3A_40] : memref<1000000x64xf32, #tpu.memory_space<hbm>> -> memref<1000000x64xf32, #tpu.memory_space<hbm>>
    tpu.enqueue_indirect_dma source(%dma_start3A_41 : memref<1000000x64xf32, #tpu.memory_space<hbm>>) target(%dma_start3A_35 : memref<72x64xf32, #tpu.memory_space<vmem>>) offsets(%dma_start3A_38 : memref<72xi32, #tpu.memory_space<vmem>>) semaphore(%arg11 : memref<!tpu.dma_semaphore, #tpu.memory_space<semaphore_mem>>)
    %dma_start3A_42 = arith.constant 2 : i32
    %dma_start3A_43 = arith.constant 0 : i32
    %dma_start3A_44 = arith.constant 0 : i32
    %dma_start3A_45 = tpu.memref_slice %arg8[%dma_start3A_43, %dma_start3A_44] : memref<200x64xf32, #tpu.memory_space<vmem>> -> memref<128x64xf32, #tpu.memory_space<vmem>>
    %dma_start3A_46 = arith.constant 0 : i32
    %dma_start3A_47 = tpu.memref_slice %arg5[%dma_start3A_42, %dma_start3A_46] : memref<32x200xi32, #tpu.memory_space<vmem>> -> memref<1x128xi32, #tpu.memory_space<vmem>>
    %dma_start3A_48 = tpu.memref_squeeze %dma_start3A_47 : memref<1x128xi32, #tpu.memory_space<vmem>> -> memref<128xi32, #tpu.memory_space<vmem>>
    %dma_start3A_49 = arith.constant 0 : i32
    %dma_start3A_50 = arith.constant 0 : i32
    %dma_start3A_51 = tpu.memref_slice %arg3[%dma_start3A_49, %dma_start3A_50] : memref<1000000x64xf32, #tpu.memory_space<hbm>> -> memref<1000000x64xf32, #tpu.memory_space<hbm>>
    tpu.enqueue_indirect_dma source(%dma_start3A_51 : memref<1000000x64xf32, #tpu.memory_space<hbm>>) target(%dma_start3A_45 : memref<128x64xf32, #tpu.memory_space<vmem>>) offsets(%dma_start3A_48 : memref<128xi32, #tpu.memory_space<vmem>>) semaphore(%arg12 : memref<!tpu.dma_semaphore, #tpu.memory_space<semaphore_mem>>)
    %dma_start3A_52 = arith.constant 2 : i32
    %dma_start3A_53 = arith.constant 128 : i32
    %dma_start3A_54 = arith.constant 0 : i32
    %dma_start3A_55 = tpu.memref_slice %arg8[%dma_start3A_53, %dma_start3A_54] : memref<200x64xf32, #tpu.memory_space<vmem>> -> memref<72x64xf32, #tpu.memory_space<vmem>>
    %dma_start3A_56 = arith.constant 128 : i32
    %dma_start3A_57 = tpu.memref_slice %arg5[%dma_start3A_52, %dma_start3A_56] : memref<32x200xi32, #tpu.memory_space<vmem>> -> memref<1x72xi32, #tpu.memory_space<vmem>>
    %dma_start3A_58 = tpu.memref_squeeze %dma_start3A_57 : memref<1x72xi32, #tpu.memory_space<vmem>> -> memref<72xi32, #tpu.memory_space<vmem>>
    %dma_start3A_59 = arith.constant 0 : i32
    %dma_start3A_60 = arith.constant 0 : i32
    %dma_start3A_61 = tpu.memref_slice %arg3[%dma_start3A_59, %dma_start3A_60] : memref<1000000x64xf32, #tpu.memory_space<hbm>> -> memref<1000000x64xf32, #tpu.memory_space<hbm>>
    tpu.enqueue_indirect_dma source(%dma_start3A_61 : memref<1000000x64xf32, #tpu.memory_space<hbm>>) target(%dma_start3A_55 : memref<72x64xf32, #tpu.memory_space<vmem>>) offsets(%dma_start3A_58 : memref<72xi32, #tpu.memory_space<vmem>>) semaphore(%arg12 : memref<!tpu.dma_semaphore, #tpu.memory_space<semaphore_mem>>)
    %scan3A = arith.constant 0 : i32
    %scan3A_62 = arith.constant 8 : i32
    %scan3A_63 = arith.addi %scan3A, %scan3A_62 : i32
    %scan3A_64 = arith.constant 1 : i32
    scf.for %scan3A_105 = %scan3A to %scan3A_63 step %scan3A_64  : i32 {
      %mul3A_106 = arith.constant 1 : i32
      %mul3A_107 = arith.muli %scan3A_105, %mul3A_106 : i32
      %add3A_108 = arith.constant 0 : i32
      %add3A_109 = arith.addi %add3A_108, %mul3A_107 : i32
      %mul3A_110 = arith.constant 4 : i32
      %mul3A_111 = arith.muli %add3A_109, %mul3A_110 : i32
      %add3A_112 = arith.constant 0 : i32
      %add3A_113 = arith.addi %mul3A_111, %add3A_112 : i32
      %dma_wait3A_114 = arith.constant 0 : i32
      %dma_wait3A_115 = arith.constant 0 : i32
      %dma_wait3A_116 = tpu.memref_slice %arg6[%dma_wait3A_114, %dma_wait3A_115] : memref<200x64xf32, #tpu.memory_space<vmem>> -> memref<128x64xf32, #tpu.memory_space<vmem>>
      %dma_wait3A_117 = arith.constant 0 : i32
      %dma_wait3A_118 = tpu.memref_slice %arg5[%add3A_113, %dma_wait3A_117] : memref<32x200xi32, #tpu.memory_space<vmem>> -> memref<1x128xi32, #tpu.memory_space<vmem>>
      %dma_wait3A_119 = tpu.memref_squeeze %dma_wait3A_118 : memref<1x128xi32, #tpu.memory_space<vmem>> -> memref<128xi32, #tpu.memory_space<vmem>>
      %dma_wait3A_120 = arith.constant 0 : i32
      %dma_wait3A_121 = arith.constant 0 : i32
      %dma_wait3A_122 = tpu.memref_slice %arg3[%dma_wait3A_120, %dma_wait3A_121] : memref<1000000x64xf32, #tpu.memory_space<hbm>> -> memref<1000000x64xf32, #tpu.memory_space<hbm>>
      tpu.wait_indirect_dma semaphore(%arg10 : memref<!tpu.dma_semaphore, #tpu.memory_space<semaphore_mem>>) src(%dma_wait3A_122 : memref<1000000x64xf32, #tpu.memory_space<hbm>>) dst(%dma_wait3A_116 : memref<128x64xf32, #tpu.memory_space<vmem>>)
      %dma_wait3A_123 = arith.constant 128 : i32
      %dma_wait3A_124 = arith.constant 0 : i32
      %dma_wait3A_125 = tpu.memref_slice %arg6[%dma_wait3A_123, %dma_wait3A_124] : memref<200x64xf32, #tpu.memory_space<vmem>> -> memref<72x64xf32, #tpu.memory_space<vmem>>
      %dma_wait3A_126 = arith.constant 128 : i32
      %dma_wait3A_127 = tpu.memref_slice %arg5[%add3A_113, %dma_wait3A_126] : memref<32x200xi32, #tpu.memory_space<vmem>> -> memref<1x72xi32, #tpu.memory_space<vmem>>
      %dma_wait3A_128 = tpu.memref_squeeze %dma_wait3A_127 : memref<1x72xi32, #tpu.memory_space<vmem>> -> memref<72xi32, #tpu.memory_space<vmem>>
      %dma_wait3A_129 = arith.constant 0 : i32
      %dma_wait3A_130 = arith.constant 0 : i32
      %dma_wait3A_131 = tpu.memref_slice %arg3[%dma_wait3A_129, %dma_wait3A_130] : memref<1000000x64xf32, #tpu.memory_space<hbm>> -> memref<1000000x64xf32, #tpu.memory_space<hbm>>
      tpu.wait_indirect_dma semaphore(%arg10 : memref<!tpu.dma_semaphore, #tpu.memory_space<semaphore_mem>>) src(%dma_wait3A_131 : memref<1000000x64xf32, #tpu.memory_space<hbm>>) dst(%dma_wait3A_125 : memref<72x64xf32, #tpu.memory_space<vmem>>)
      %parallel_loop3A = arith.constant 0 : i32
      %parallel_loop3A_132 = arith.constant 800 : i32
      %parallel_loop3A_133 = arith.constant 1 : i32
      scf.for %parallel_loop3A_277 = %parallel_loop3A to %parallel_loop3A_132 step %parallel_loop3A_133  : i32 {
        %parallel_loop3A_278 = arith.constant 2 : i32
        %parallel_loop3A_279 = arith.shrsi %parallel_loop3A_277, %parallel_loop3A_278 : i32
        %parallel_loop3A_280 = arith.constant 3 : i32
        %parallel_loop3A_281 = arith.andi %parallel_loop3A_277, %parallel_loop3A_280 : i32
        %parallel_loop3A_282 = arith.constant 16 : i32
        %parallel_loop3A_283 = arith.muli %parallel_loop3A_281, %parallel_loop3A_282 : i32
        %parallel_loop3A_284 = arith.index_cast %parallel_loop3A_279 : i32 to index
        %parallel_loop3A_285 = arith.index_cast %parallel_loop3A_283 : i32 to index
        %parallel_loop3A_286 = tpu.vector_load %arg6[%parallel_loop3A_284, %parallel_loop3A_285] {strides = array<i32>} : memref<200x64xf32, #tpu.memory_space<vmem>>, vector<1x16xf32>,
        %parallel_loop3A_287 = vector.shape_cast %parallel_loop3A_286 : vector<1x16xf32> to vector<16xf32>
        %parallel_loop3A_288 = arith.constant 8.000000e+00 : f32
        %parallel_loop3A_289 = vector.broadcast %parallel_loop3A_288 : f32 to vector<16xf32>
        %parallel_loop3A_290 = arith.mulf %parallel_loop3A_287, %parallel_loop3A_289 : vector<16xf32>
        %parallel_loop3A_291 = arith.index_cast %parallel_loop3A_279 : i32 to index
        %parallel_loop3A_292 = arith.index_cast %parallel_loop3A_283 : i32 to index
        %parallel_loop3A_293 = tpu.vector_load %arg6[%parallel_loop3A_291, %parallel_loop3A_292] {strides = array<i32>} : memref<200x64xf32, #tpu.memory_space<vmem>>, vector<1x16xf32>,
        %parallel_loop3A_294 = vector.shape_cast %parallel_loop3A_293 : vector<1x16xf32> to vector<16xf32>
        %parallel_loop3A_295 = vector.shape_cast %parallel_loop3A_290 : vector<16xf32> to vector<1x16xf32>
        tpu.vector_store %arg6[%parallel_loop3A_291, %parallel_loop3A_292], %parallel_loop3A_295 {strides = array<i32>} : memref<200x64xf32, #tpu.memory_space<vmem>>, vector<1x16xf32>,
      } {sc.loop_unroll_factor = 8 : i64, sc.parallel_access}
      %add3A_134 = arith.addi %mul3A_2, %add3A_113 : i32
      %dma_start3A_135 = arith.constant 0 : i32
      %dma_start3A_136 = arith.constant 0 : i32
      %dma_start3A_137 = tpu.memref_slice %arg4[%add3A_134, %dma_start3A_135, %dma_start3A_136] : memref<1024x200x64xf32, #tpu.memory_space<hbm>> -> memref<1x200x64xf32, #tpu.memory_space<hbm>>
      %dma_start3A_138 = tpu.memref_squeeze %dma_start3A_137 : memref<1x200x64xf32, #tpu.memory_space<hbm>> -> memref<200x64xf32, #tpu.memory_space<hbm>>
      %dma_start3A_139 = arith.constant 0 : i32
      %dma_start3A_140 = arith.constant 0 : i32
      %dma_start3A_141 = tpu.memref_slice %arg4[%add3A_134, %dma_start3A_139, %dma_start3A_140] : memref<1024x200x64xf32, #tpu.memory_space<hbm>> -> memref<1x200x64xf32, #tpu.memory_space<hbm>>
      %dma_start3A_142 = tpu.memref_squeeze %dma_start3A_141 : memref<1x200x64xf32, #tpu.memory_space<hbm>> -> memref<200x64xf32, #tpu.memory_space<hbm>>
      tpu.enqueue_dma source(%arg6 : memref<200x64xf32, #tpu.memory_space<vmem>>) target(%dma_start3A_142 : memref<200x64xf32, #tpu.memory_space<hbm>>) target_semaphore(%arg14 : memref<!tpu.dma_semaphore, #tpu.memory_space<semaphore_mem>>)
      %add3A_143 = arith.constant 4 : i32
      %add3A_144 = arith.addi %add3A_113, %add3A_143 : i32
      %sub3A = arith.constant 1 : i32
      %sub3A_145 = arith.subi %add3A_144, %sub3A : i32
      %lt3A = arith.constant 32 : i32
      %lt3A_146 = arith.cmpi slt, %sub3A_145, %lt3A : i32
      %convert_element_type3A = arith.extui %lt3A_146 : i1 to i32
      %cond3A = arith.constant 0 : i32
      %cond3A_147 = arith.cmpi ne, %convert_element_type3A, %cond3A : i32
      scf.if %cond3A_147 {
        %ge3A = arith.constant 1 : i32
        %ge3A_277 = arith.cmpi sge, %add3A_113, %ge3A : i32
        %convert_element_type3A_278 = arith.extui %ge3A_277 : i1 to i32
        %cond3A_279 = arith.constant 0 : i32
        %cond3A_280 = arith.cmpi ne, %convert_element_type3A_278, %cond3A_279 : i32
        scf.if %cond3A_280 {
          %sub3A_303 = arith.constant 1 : i32
          %sub3A_304 = arith.subi %add3A_113, %sub3A_303 : i32
          %add3A_305 = arith.addi %mul3A_2, %sub3A_304 : i32
          %dma_wait3A_306 = arith.constant 0 : i32
          %dma_wait3A_307 = arith.constant 0 : i32
          %dma_wait3A_308 = tpu.memref_slice %arg4[%add3A_305, %dma_wait3A_306, %dma_wait3A_307] : memref<1024x200x64xf32, #tpu.memory_space<hbm>> -> memref<1x200x64xf32, #tpu.memory_space<hbm>>
          %dma_wait3A_309 = tpu.memref_squeeze %dma_wait3A_308 : memref<1x200x64xf32, #tpu.memory_space<hbm>> -> memref<200x64xf32, #tpu.memory_space<hbm>>
          %dma_wait3A_310 = arith.constant 0 : i32
          %dma_wait3A_311 = arith.constant 0 : i32
          %dma_wait3A_312 = tpu.memref_slice %arg4[%add3A_305, %dma_wait3A_310, %dma_wait3A_311] : memref<1024x200x64xf32, #tpu.memory_space<hbm>> -> memref<1x200x64xf32, #tpu.memory_space<hbm>>
          %dma_wait3A_313 = tpu.memref_squeeze %dma_wait3A_312 : memref<1x200x64xf32, #tpu.memory_space<hbm>> -> memref<200x64xf32, #tpu.memory_space<hbm>>
          tpu.wait_dma2 semaphore(%arg17 : memref<!tpu.dma_semaphore, #tpu.memory_space<semaphore_mem>>) src(%arg9 : memref<200x64xf32, #tpu.memory_space<vmem>>) dst(%dma_wait3A_313 : memref<200x64xf32, #tpu.memory_space<hbm>>)
        } else {
        }
        %add3A_281 = arith.constant 4 : i32
        %add3A_282 = arith.addi %add3A_113, %add3A_281 : i32
        %sub3A_283 = arith.constant 1 : i32
        %sub3A_284 = arith.subi %add3A_282, %sub3A_283 : i32
        %dma_start3A_285 = arith.constant 0 : i32
        %dma_start3A_286 = arith.constant 0 : i32
        %dma_start3A_287 = tpu.memref_slice %arg9[%dma_start3A_285, %dma_start3A_286] : memref<200x64xf32, #tpu.memory_space<vmem>> -> memref<128x64xf32, #tpu.memory_space<vmem>>
        %dma_start3A_288 = arith.constant 0 : i32
        %dma_start3A_289 = tpu.memref_slice %arg5[%sub3A_284, %dma_start3A_288] : memref<32x200xi32, #tpu.memory_space<vmem>> -> memref<1x128xi32, #tpu.memory_space<vmem>>
        %dma_start3A_290 = tpu.memref_squeeze %dma_start3A_289 : memref<1x128xi32, #tpu.memory_space<vmem>> -> memref<128xi32, #tpu.memory_space<vmem>>
        %dma_start3A_291 = arith.constant 0 : i32
        %dma_start3A_292 = arith.constant 0 : i32
        %dma_start3A_293 = tpu.memref_slice %arg3[%dma_start3A_291, %dma_start3A_292] : memref<1000000x64xf32, #tpu.memory_space<hbm>> -> memref<1000000x64xf32, #tpu.memory_space<hbm>>
        tpu.enqueue_indirect_dma source(%dma_start3A_293 : memref<1000000x64xf32, #tpu.memory_space<hbm>>) target(%dma_start3A_287 : memref<128x64xf32, #tpu.memory_space<vmem>>) offsets(%dma_start3A_290 : memref<128xi32, #tpu.memory_space<vmem>>) semaphore(%arg13 : memref<!tpu.dma_semaphore, #tpu.memory_space<semaphore_mem>>)
        %dma_start3A_294 = arith.constant 128 : i32
        %dma_start3A_295 = arith.constant 0 : i32
        %dma_start3A_296 = tpu.memref_slice %arg9[%dma_start3A_294, %dma_start3A_295] : memref<200x64xf32, #tpu.memory_space<vmem>> -> memref<72x64xf32, #tpu.memory_space<vmem>>
        %dma_start3A_297 = arith.constant 128 : i32
        %dma_start3A_298 = tpu.memref_slice %arg5[%sub3A_284, %dma_start3A_297] : memref<32x200xi32, #tpu.memory_space<vmem>> -> memref<1x72xi32, #tpu.memory_space<vmem>>
        %dma_start3A_299 = tpu.memref_squeeze %dma_start3A_298 : memref<1x72xi32, #tpu.memory_space<vmem>> -> memref<72xi32, #tpu.memory_space<vmem>>
        %dma_start3A_300 = arith.constant 0 : i32
        %dma_start3A_301 = arith.constant 0 : i32
        %dma_start3A_302 = tpu.memref_slice %arg3[%dma_start3A_300, %dma_start3A_301] : memref<1000000x64xf32, #tpu.memory_space<hbm>> -> memref<1000000x64xf32, #tpu.memory_space<hbm>>
        tpu.enqueue_indirect_dma source(%dma_start3A_302 : memref<1000000x64xf32, #tpu.memory_space<hbm>>) target(%dma_start3A_296 : memref<72x64xf32, #tpu.memory_space<vmem>>) offsets(%dma_start3A_299 : memref<72xi32, #tpu.memory_space<vmem>>) semaphore(%arg13 : memref<!tpu.dma_semaphore, #tpu.memory_space<semaphore_mem>>)
      } else {
      }
      %mul3A_148 = arith.constant 4 : i32
      %mul3A_149 = arith.muli %add3A_109, %mul3A_148 : i32
      %add3A_150 = arith.constant 1 : i32
      %add3A_151 = arith.addi %mul3A_149, %add3A_150 : i32
      %dma_wait3A_152 = arith.constant 0 : i32
      %dma_wait3A_153 = arith.constant 0 : i32
      %dma_wait3A_154 = tpu.memref_slice %arg7[%dma_wait3A_152, %dma_wait3A_153] : memref<200x64xf32, #tpu.memory_space<vmem>> -> memref<128x64xf32, #tpu.memory_space<vmem>>
      %dma_wait3A_155 = arith.constant 0 : i32
      %dma_wait3A_156 = tpu.memref_slice %arg5[%add3A_151, %dma_wait3A_155] : memref<32x200xi32, #tpu.memory_space<vmem>> -> memref<1x128xi32, #tpu.memory_space<vmem>>
      %dma_wait3A_157 = tpu.memref_squeeze %dma_wait3A_156 : memref<1x128xi32, #tpu.memory_space<vmem>> -> memref<128xi32, #tpu.memory_space<vmem>>
      %dma_wait3A_158 = arith.constant 0 : i32
      %dma_wait3A_159 = arith.constant 0 : i32
      %dma_wait3A_160 = tpu.memref_slice %arg3[%dma_wait3A_158, %dma_wait3A_159] : memref<1000000x64xf32, #tpu.memory_space<hbm>> -> memref<1000000x64xf32, #tpu.memory_space<hbm>>
      tpu.wait_indirect_dma semaphore(%arg11 : memref<!tpu.dma_semaphore, #tpu.memory_space<semaphore_mem>>) src(%dma_wait3A_160 : memref<1000000x64xf32, #tpu.memory_space<hbm>>) dst(%dma_wait3A_154 : memref<128x64xf32, #tpu.memory_space<vmem>>)
      %dma_wait3A_161 = arith.constant 128 : i32
      %dma_wait3A_162 = arith.constant 0 : i32
      %dma_wait3A_163 = tpu.memref_slice %arg7[%dma_wait3A_161, %dma_wait3A_162] : memref<200x64xf32, #tpu.memory_space<vmem>> -> memref<72x64xf32, #tpu.memory_space<vmem>>
      %dma_wait3A_164 = arith.constant 128 : i32
      %dma_wait3A_165 = tpu.memref_slice %arg5[%add3A_151, %dma_wait3A_164] : memref<32x200xi32, #tpu.memory_space<vmem>> -> memref<1x72xi32, #tpu.memory_space<vmem>>
      %dma_wait3A_166 = tpu.memref_squeeze %dma_wait3A_165 : memref<1x72xi32, #tpu.memory_space<vmem>> -> memref<72xi32, #tpu.memory_space<vmem>>
      %dma_wait3A_167 = arith.constant 0 : i32
      %dma_wait3A_168 = arith.constant 0 : i32
      %dma_wait3A_169 = tpu.memref_slice %arg3[%dma_wait3A_167, %dma_wait3A_168] : memref<1000000x64xf32, #tpu.memory_space<hbm>> -> memref<1000000x64xf32, #tpu.memory_space<hbm>>
      tpu.wait_indirect_dma semaphore(%arg11 : memref<!tpu.dma_semaphore, #tpu.memory_space<semaphore_mem>>) src(%dma_wait3A_169 : memref<1000000x64xf32, #tpu.memory_space<hbm>>) dst(%dma_wait3A_163 : memref<72x64xf32, #tpu.memory_space<vmem>>)
      %parallel_loop3A_170 = arith.constant 0 : i32
      %parallel_loop3A_171 = arith.constant 800 : i32
      %parallel_loop3A_172 = arith.constant 1 : i32
      scf.for %parallel_loop3A_277 = %parallel_loop3A_170 to %parallel_loop3A_171 step %parallel_loop3A_172  : i32 {
        %parallel_loop3A_278 = arith.constant 2 : i32
        %parallel_loop3A_279 = arith.shrsi %parallel_loop3A_277, %parallel_loop3A_278 : i32
        %parallel_loop3A_280 = arith.constant 3 : i32
        %parallel_loop3A_281 = arith.andi %parallel_loop3A_277, %parallel_loop3A_280 : i32
        %parallel_loop3A_282 = arith.constant 16 : i32
        %parallel_loop3A_283 = arith.muli %parallel_loop3A_281, %parallel_loop3A_282 : i32
        %parallel_loop3A_284 = arith.index_cast %parallel_loop3A_279 : i32 to index
        %parallel_loop3A_285 = arith.index_cast %parallel_loop3A_283 : i32 to index
        %parallel_loop3A_286 = tpu.vector_load %arg7[%parallel_loop3A_284, %parallel_loop3A_285] {strides = array<i32>} : memref<200x64xf32, #tpu.memory_space<vmem>>, vector<1x16xf32>,
        %parallel_loop3A_287 = vector.shape_cast %parallel_loop3A_286 : vector<1x16xf32> to vector<16xf32>
        %parallel_loop3A_288 = arith.constant 8.000000e+00 : f32
        %parallel_loop3A_289 = vector.broadcast %parallel_loop3A_288 : f32 to vector<16xf32>
        %parallel_loop3A_290 = arith.mulf %parallel_loop3A_287, %parallel_loop3A_289 : vector<16xf32>
        %parallel_loop3A_291 = arith.index_cast %parallel_loop3A_279 : i32 to index
        %parallel_loop3A_292 = arith.index_cast %parallel_loop3A_283 : i32 to index
        %parallel_loop3A_293 = tpu.vector_load %arg7[%parallel_loop3A_291, %parallel_loop3A_292] {strides = array<i32>} : memref<200x64xf32, #tpu.memory_space<vmem>>, vector<1x16xf32>,
        %parallel_loop3A_294 = vector.shape_cast %parallel_loop3A_293 : vector<1x16xf32> to vector<16xf32>
        %parallel_loop3A_295 = vector.shape_cast %parallel_loop3A_290 : vector<16xf32> to vector<1x16xf32>
        tpu.vector_store %arg7[%parallel_loop3A_291, %parallel_loop3A_292], %parallel_loop3A_295 {strides = array<i32>} : memref<200x64xf32, #tpu.memory_space<vmem>>, vector<1x16xf32>,
      } {sc.loop_unroll_factor = 8 : i64, sc.parallel_access}
      %add3A_173 = arith.addi %mul3A_2, %add3A_151 : i32
      %dma_start3A_174 = arith.constant 0 : i32
      %dma_start3A_175 = arith.constant 0 : i32
      %dma_start3A_176 = tpu.memref_slice %arg4[%add3A_173, %dma_start3A_174, %dma_start3A_175] : memref<1024x200x64xf32, #tpu.memory_space<hbm>> -> memref<1x200x64xf32, #tpu.memory_space<hbm>>
      %dma_start3A_177 = tpu.memref_squeeze %dma_start3A_176 : memref<1x200x64xf32, #tpu.memory_space<hbm>> -> memref<200x64xf32, #tpu.memory_space<hbm>>
      %dma_start3A_178 = arith.constant 0 : i32
      %dma_start3A_179 = arith.constant 0 : i32
      %dma_start3A_180 = tpu.memref_slice %arg4[%add3A_173, %dma_start3A_178, %dma_start3A_179] : memref<1024x200x64xf32, #tpu.memory_space<hbm>> -> memref<1x200x64xf32, #tpu.memory_space<hbm>>
      %dma_start3A_181 = tpu.memref_squeeze %dma_start3A_180 : memref<1x200x64xf32, #tpu.memory_space<hbm>> -> memref<200x64xf32, #tpu.memory_space<hbm>>
      tpu.enqueue_dma source(%arg7 : memref<200x64xf32, #tpu.memory_space<vmem>>) target(%dma_start3A_181 : memref<200x64xf32, #tpu.memory_space<hbm>>) target_semaphore(%arg15 : memref<!tpu.dma_semaphore, #tpu.memory_space<semaphore_mem>>)
      %add3A_182 = arith.constant 4 : i32
      %add3A_183 = arith.addi %add3A_151, %add3A_182 : i32
      %sub3A_184 = arith.constant 1 : i32
      %sub3A_185 = arith.subi %add3A_183, %sub3A_184 : i32
      %lt3A_186 = arith.constant 32 : i32
      %lt3A_187 = arith.cmpi slt, %sub3A_185, %lt3A_186 : i32
      %convert_element_type3A_188 = arith.extui %lt3A_187 : i1 to i32
      %cond3A_189 = arith.constant 0 : i32
      %cond3A_190 = arith.cmpi ne, %convert_element_type3A_188, %cond3A_189 : i32
      scf.if %cond3A_190 {
        %ge3A = arith.constant 1 : i32
        %ge3A_277 = arith.cmpi sge, %add3A_151, %ge3A : i32
        %convert_element_type3A_278 = arith.extui %ge3A_277 : i1 to i32
        %cond3A_279 = arith.constant 0 : i32
        %cond3A_280 = arith.cmpi ne, %convert_element_type3A_278, %cond3A_279 : i32
        scf.if %cond3A_280 {
          %sub3A_303 = arith.constant 1 : i32
          %sub3A_304 = arith.subi %add3A_151, %sub3A_303 : i32
          %add3A_305 = arith.addi %mul3A_2, %sub3A_304 : i32
          %dma_wait3A_306 = arith.constant 0 : i32
          %dma_wait3A_307 = arith.constant 0 : i32
          %dma_wait3A_308 = tpu.memref_slice %arg4[%add3A_305, %dma_wait3A_306, %dma_wait3A_307] : memref<1024x200x64xf32, #tpu.memory_space<hbm>> -> memref<1x200x64xf32, #tpu.memory_space<hbm>>
          %dma_wait3A_309 = tpu.memref_squeeze %dma_wait3A_308 : memref<1x200x64xf32, #tpu.memory_space<hbm>> -> memref<200x64xf32, #tpu.memory_space<hbm>>
          %dma_wait3A_310 = arith.constant 0 : i32
          %dma_wait3A_311 = arith.constant 0 : i32
          %dma_wait3A_312 = tpu.memref_slice %arg4[%add3A_305, %dma_wait3A_310, %dma_wait3A_311] : memref<1024x200x64xf32, #tpu.memory_space<hbm>> -> memref<1x200x64xf32, #tpu.memory_space<hbm>>
          %dma_wait3A_313 = tpu.memref_squeeze %dma_wait3A_312 : memref<1x200x64xf32, #tpu.memory_space<hbm>> -> memref<200x64xf32, #tpu.memory_space<hbm>>
          tpu.wait_dma2 semaphore(%arg14 : memref<!tpu.dma_semaphore, #tpu.memory_space<semaphore_mem>>) src(%arg6 : memref<200x64xf32, #tpu.memory_space<vmem>>) dst(%dma_wait3A_313 : memref<200x64xf32, #tpu.memory_space<hbm>>)
        } else {
        }
        %add3A_281 = arith.constant 4 : i32
        %add3A_282 = arith.addi %add3A_151, %add3A_281 : i32
        %sub3A_283 = arith.constant 1 : i32
        %sub3A_284 = arith.subi %add3A_282, %sub3A_283 : i32
        %dma_start3A_285 = arith.constant 0 : i32
        %dma_start3A_286 = arith.constant 0 : i32
        %dma_start3A_287 = tpu.memref_slice %arg6[%dma_start3A_285, %dma_start3A_286] : memref<200x64xf32, #tpu.memory_space<vmem>> -> memref<128x64xf32, #tpu.memory_space<vmem>>
        %dma_start3A_288 = arith.constant 0 : i32
        %dma_start3A_289 = tpu.memref_slice %arg5[%sub3A_284, %dma_start3A_288] : memref<32x200xi32, #tpu.memory_space<vmem>> -> memref<1x128xi32, #tpu.memory_space<vmem>>
        %dma_start3A_290 = tpu.memref_squeeze %dma_start3A_289 : memref<1x128xi32, #tpu.memory_space<vmem>> -> memref<128xi32, #tpu.memory_space<vmem>>
        %dma_start3A_291 = arith.constant 0 : i32
        %dma_start3A_292 = arith.constant 0 : i32
        %dma_start3A_293 = tpu.memref_slice %arg3[%dma_start3A_291, %dma_start3A_292] : memref<1000000x64xf32, #tpu.memory_space<hbm>> -> memref<1000000x64xf32, #tpu.memory_space<hbm>>
        tpu.enqueue_indirect_dma source(%dma_start3A_293 : memref<1000000x64xf32, #tpu.memory_space<hbm>>) target(%dma_start3A_287 : memref<128x64xf32, #tpu.memory_space<vmem>>) offsets(%dma_start3A_290 : memref<128xi32, #tpu.memory_space<vmem>>) semaphore(%arg10 : memref<!tpu.dma_semaphore, #tpu.memory_space<semaphore_mem>>)
        %dma_start3A_294 = arith.constant 128 : i32
        %dma_start3A_295 = arith.constant 0 : i32
        %dma_start3A_296 = tpu.memref_slice %arg6[%dma_start3A_294, %dma_start3A_295] : memref<200x64xf32, #tpu.memory_space<vmem>> -> memref<72x64xf32, #tpu.memory_space<vmem>>
        %dma_start3A_297 = arith.constant 128 : i32
        %dma_start3A_298 = tpu.memref_slice %arg5[%sub3A_284, %dma_start3A_297] : memref<32x200xi32, #tpu.memory_space<vmem>> -> memref<1x72xi32, #tpu.memory_space<vmem>>
        %dma_start3A_299 = tpu.memref_squeeze %dma_start3A_298 : memref<1x72xi32, #tpu.memory_space<vmem>> -> memref<72xi32, #tpu.memory_space<vmem>>
        %dma_start3A_300 = arith.constant 0 : i32
        %dma_start3A_301 = arith.constant 0 : i32
        %dma_start3A_302 = tpu.memref_slice %arg3[%dma_start3A_300, %dma_start3A_301] : memref<1000000x64xf32, #tpu.memory_space<hbm>> -> memref<1000000x64xf32, #tpu.memory_space<hbm>>
        tpu.enqueue_indirect_dma source(%dma_start3A_302 : memref<1000000x64xf32, #tpu.memory_space<hbm>>) target(%dma_start3A_296 : memref<72x64xf32, #tpu.memory_space<vmem>>) offsets(%dma_start3A_299 : memref<72xi32, #tpu.memory_space<vmem>>) semaphore(%arg10 : memref<!tpu.dma_semaphore, #tpu.memory_space<semaphore_mem>>)
      } else {
      }
      %mul3A_191 = arith.constant 4 : i32
      %mul3A_192 = arith.muli %add3A_109, %mul3A_191 : i32
      %add3A_193 = arith.constant 2 : i32
      %add3A_194 = arith.addi %mul3A_192, %add3A_193 : i32
      %dma_wait3A_195 = arith.constant 0 : i32
      %dma_wait3A_196 = arith.constant 0 : i32
      %dma_wait3A_197 = tpu.memref_slice %arg8[%dma_wait3A_195, %dma_wait3A_196] : memref<200x64xf32, #tpu.memory_space<vmem>> -> memref<128x64xf32, #tpu.memory_space<vmem>>
      %dma_wait3A_198 = arith.constant 0 : i32
      %dma_wait3A_199 = tpu.memref_slice %arg5[%add3A_194, %dma_wait3A_198] : memref<32x200xi32, #tpu.memory_space<vmem>> -> memref<1x128xi32, #tpu.memory_space<vmem>>
      %dma_wait3A_200 = tpu.memref_squeeze %dma_wait3A_199 : memref<1x128xi32, #tpu.memory_space<vmem>> -> memref<128xi32, #tpu.memory_space<vmem>>
      %dma_wait3A_201 = arith.constant 0 : i32
      %dma_wait3A_202 = arith.constant 0 : i32
      %dma_wait3A_203 = tpu.memref_slice %arg3[%dma_wait3A_201, %dma_wait3A_202] : memref<1000000x64xf32, #tpu.memory_space<hbm>> -> memref<1000000x64xf32, #tpu.memory_space<hbm>>
      tpu.wait_indirect_dma semaphore(%arg12 : memref<!tpu.dma_semaphore, #tpu.memory_space<semaphore_mem>>) src(%dma_wait3A_203 : memref<1000000x64xf32, #tpu.memory_space<hbm>>) dst(%dma_wait3A_197 : memref<128x64xf32, #tpu.memory_space<vmem>>)
      %dma_wait3A_204 = arith.constant 128 : i32
      %dma_wait3A_205 = arith.constant 0 : i32
      %dma_wait3A_206 = tpu.memref_slice %arg8[%dma_wait3A_204, %dma_wait3A_205] : memref<200x64xf32, #tpu.memory_space<vmem>> -> memref<72x64xf32, #tpu.memory_space<vmem>>
      %dma_wait3A_207 = arith.constant 128 : i32
      %dma_wait3A_208 = tpu.memref_slice %arg5[%add3A_194, %dma_wait3A_207] : memref<32x200xi32, #tpu.memory_space<vmem>> -> memref<1x72xi32, #tpu.memory_space<vmem>>
      %dma_wait3A_209 = tpu.memref_squeeze %dma_wait3A_208 : memref<1x72xi32, #tpu.memory_space<vmem>> -> memref<72xi32, #tpu.memory_space<vmem>>
      %dma_wait3A_210 = arith.constant 0 : i32
      %dma_wait3A_211 = arith.constant 0 : i32
      %dma_wait3A_212 = tpu.memref_slice %arg3[%dma_wait3A_210, %dma_wait3A_211] : memref<1000000x64xf32, #tpu.memory_space<hbm>> -> memref<1000000x64xf32, #tpu.memory_space<hbm>>
      tpu.wait_indirect_dma semaphore(%arg12 : memref<!tpu.dma_semaphore, #tpu.memory_space<semaphore_mem>>) src(%dma_wait3A_212 : memref<1000000x64xf32, #tpu.memory_space<hbm>>) dst(%dma_wait3A_206 : memref<72x64xf32, #tpu.memory_space<vmem>>)
      %parallel_loop3A_213 = arith.constant 0 : i32
      %parallel_loop3A_214 = arith.constant 800 : i32
      %parallel_loop3A_215 = arith.constant 1 : i32
      scf.for %parallel_loop3A_277 = %parallel_loop3A_213 to %parallel_loop3A_214 step %parallel_loop3A_215  : i32 {
        %parallel_loop3A_278 = arith.constant 2 : i32
        %parallel_loop3A_279 = arith.shrsi %parallel_loop3A_277, %parallel_loop3A_278 : i32
        %parallel_loop3A_280 = arith.constant 3 : i32
        %parallel_loop3A_281 = arith.andi %parallel_loop3A_277, %parallel_loop3A_280 : i32
        %parallel_loop3A_282 = arith.constant 16 : i32
        %parallel_loop3A_283 = arith.muli %parallel_loop3A_281, %parallel_loop3A_282 : i32
        %parallel_loop3A_284 = arith.index_cast %parallel_loop3A_279 : i32 to index
        %parallel_loop3A_285 = arith.index_cast %parallel_loop3A_283 : i32 to index
        %parallel_loop3A_286 = tpu.vector_load %arg8[%parallel_loop3A_284, %parallel_loop3A_285] {strides = array<i32>} : memref<200x64xf32, #tpu.memory_space<vmem>>, vector<1x16xf32>,
        %parallel_loop3A_287 = vector.shape_cast %parallel_loop3A_286 : vector<1x16xf32> to vector<16xf32>
        %parallel_loop3A_288 = arith.constant 8.000000e+00 : f32
        %parallel_loop3A_289 = vector.broadcast %parallel_loop3A_288 : f32 to vector<16xf32>
        %parallel_loop3A_290 = arith.mulf %parallel_loop3A_287, %parallel_loop3A_289 : vector<16xf32>
        %parallel_loop3A_291 = arith.index_cast %parallel_loop3A_279 : i32 to index
        %parallel_loop3A_292 = arith.index_cast %parallel_loop3A_283 : i32 to index
        %parallel_loop3A_293 = tpu.vector_load %arg8[%parallel_loop3A_291, %parallel_loop3A_292] {strides = array<i32>} : memref<200x64xf32, #tpu.memory_space<vmem>>, vector<1x16xf32>,
        %parallel_loop3A_294 = vector.shape_cast %parallel_loop3A_293 : vector<1x16xf32> to vector<16xf32>
        %parallel_loop3A_295 = vector.shape_cast %parallel_loop3A_290 : vector<16xf32> to vector<1x16xf32>
        tpu.vector_store %arg8[%parallel_loop3A_291, %parallel_loop3A_292], %parallel_loop3A_295 {strides = array<i32>} : memref<200x64xf32, #tpu.memory_space<vmem>>, vector<1x16xf32>,
      } {sc.loop_unroll_factor = 8 : i64, sc.parallel_access}
      %add3A_216 = arith.addi %mul3A_2, %add3A_194 : i32
      %dma_start3A_217 = arith.constant 0 : i32
      %dma_start3A_218 = arith.constant 0 : i32
      %dma_start3A_219 = tpu.memref_slice %arg4[%add3A_216, %dma_start3A_217, %dma_start3A_218] : memref<1024x200x64xf32, #tpu.memory_space<hbm>> -> memref<1x200x64xf32, #tpu.memory_space<hbm>>
      %dma_start3A_220 = tpu.memref_squeeze %dma_start3A_219 : memref<1x200x64xf32, #tpu.memory_space<hbm>> -> memref<200x64xf32, #tpu.memory_space<hbm>>
      %dma_start3A_221 = arith.constant 0 : i32
      %dma_start3A_222 = arith.constant 0 : i32
      %dma_start3A_223 = tpu.memref_slice %arg4[%add3A_216, %dma_start3A_221, %dma_start3A_222] : memref<1024x200x64xf32, #tpu.memory_space<hbm>> -> memref<1x200x64xf32, #tpu.memory_space<hbm>>
      %dma_start3A_224 = tpu.memref_squeeze %dma_start3A_223 : memref<1x200x64xf32, #tpu.memory_space<hbm>> -> memref<200x64xf32, #tpu.memory_space<hbm>>
      tpu.enqueue_dma source(%arg8 : memref<200x64xf32, #tpu.memory_space<vmem>>) target(%dma_start3A_224 : memref<200x64xf32, #tpu.memory_space<hbm>>) target_semaphore(%arg16 : memref<!tpu.dma_semaphore, #tpu.memory_space<semaphore_mem>>)
      %add3A_225 = arith.constant 4 : i32
      %add3A_226 = arith.addi %add3A_194, %add3A_225 : i32
      %sub3A_227 = arith.constant 1 : i32
      %sub3A_228 = arith.subi %add3A_226, %sub3A_227 : i32
      %lt3A_229 = arith.constant 32 : i32
      %lt3A_230 = arith.cmpi slt, %sub3A_228, %lt3A_229 : i32
      %convert_element_type3A_231 = arith.extui %lt3A_230 : i1 to i32
      %cond3A_232 = arith.constant 0 : i32
      %cond3A_233 = arith.cmpi ne, %convert_element_type3A_231, %cond3A_232 : i32
      scf.if %cond3A_233 {
        %ge3A = arith.constant 1 : i32
        %ge3A_277 = arith.cmpi sge, %add3A_194, %ge3A : i32
        %convert_element_type3A_278 = arith.extui %ge3A_277 : i1 to i32
        %cond3A_279 = arith.constant 0 : i32
        %cond3A_280 = arith.cmpi ne, %convert_element_type3A_278, %cond3A_279 : i32
        scf.if %cond3A_280 {
          %sub3A_303 = arith.constant 1 : i32
          %sub3A_304 = arith.subi %add3A_194, %sub3A_303 : i32
          %add3A_305 = arith.addi %mul3A_2, %sub3A_304 : i32
          %dma_wait3A_306 = arith.constant 0 : i32
          %dma_wait3A_307 = arith.constant 0 : i32
          %dma_wait3A_308 = tpu.memref_slice %arg4[%add3A_305, %dma_wait3A_306, %dma_wait3A_307] : memref<1024x200x64xf32, #tpu.memory_space<hbm>> -> memref<1x200x64xf32, #tpu.memory_space<hbm>>
          %dma_wait3A_309 = tpu.memref_squeeze %dma_wait3A_308 : memref<1x200x64xf32, #tpu.memory_space<hbm>> -> memref<200x64xf32, #tpu.memory_space<hbm>>
          %dma_wait3A_310 = arith.constant 0 : i32
          %dma_wait3A_311 = arith.constant 0 : i32
          %dma_wait3A_312 = tpu.memref_slice %arg4[%add3A_305, %dma_wait3A_310, %dma_wait3A_311] : memref<1024x200x64xf32, #tpu.memory_space<hbm>> -> memref<1x200x64xf32, #tpu.memory_space<hbm>>
          %dma_wait3A_313 = tpu.memref_squeeze %dma_wait3A_312 : memref<1x200x64xf32, #tpu.memory_space<hbm>> -> memref<200x64xf32, #tpu.memory_space<hbm>>
          tpu.wait_dma2 semaphore(%arg15 : memref<!tpu.dma_semaphore, #tpu.memory_space<semaphore_mem>>) src(%arg7 : memref<200x64xf32, #tpu.memory_space<vmem>>) dst(%dma_wait3A_313 : memref<200x64xf32, #tpu.memory_space<hbm>>)
        } else {
        }
        %add3A_281 = arith.constant 4 : i32
        %add3A_282 = arith.addi %add3A_194, %add3A_281 : i32
        %sub3A_283 = arith.constant 1 : i32
        %sub3A_284 = arith.subi %add3A_282, %sub3A_283 : i32
        %dma_start3A_285 = arith.constant 0 : i32
        %dma_start3A_286 = arith.constant 0 : i32
        %dma_start3A_287 = tpu.memref_slice %arg7[%dma_start3A_285, %dma_start3A_286] : memref<200x64xf32, #tpu.memory_space<vmem>> -> memref<128x64xf32, #tpu.memory_space<vmem>>
        %dma_start3A_288 = arith.constant 0 : i32
        %dma_start3A_289 = tpu.memref_slice %arg5[%sub3A_284, %dma_start3A_288] : memref<32x200xi32, #tpu.memory_space<vmem>> -> memref<1x128xi32, #tpu.memory_space<vmem>>
        %dma_start3A_290 = tpu.memref_squeeze %dma_start3A_289 : memref<1x128xi32, #tpu.memory_space<vmem>> -> memref<128xi32, #tpu.memory_space<vmem>>
        %dma_start3A_291 = arith.constant 0 : i32
        %dma_start3A_292 = arith.constant 0 : i32
        %dma_start3A_293 = tpu.memref_slice %arg3[%dma_start3A_291, %dma_start3A_292] : memref<1000000x64xf32, #tpu.memory_space<hbm>> -> memref<1000000x64xf32, #tpu.memory_space<hbm>>
        tpu.enqueue_indirect_dma source(%dma_start3A_293 : memref<1000000x64xf32, #tpu.memory_space<hbm>>) target(%dma_start3A_287 : memref<128x64xf32, #tpu.memory_space<vmem>>) offsets(%dma_start3A_290 : memref<128xi32, #tpu.memory_space<vmem>>) semaphore(%arg11 : memref<!tpu.dma_semaphore, #tpu.memory_space<semaphore_mem>>)
        %dma_start3A_294 = arith.constant 128 : i32
        %dma_start3A_295 = arith.constant 0 : i32
        %dma_start3A_296 = tpu.memref_slice %arg7[%dma_start3A_294, %dma_start3A_295] : memref<200x64xf32, #tpu.memory_space<vmem>> -> memref<72x64xf32, #tpu.memory_space<vmem>>
        %dma_start3A_297 = arith.constant 128 : i32
        %dma_start3A_298 = tpu.memref_slice %arg5[%sub3A_284, %dma_start3A_297] : memref<32x200xi32, #tpu.memory_space<vmem>> -> memref<1x72xi32, #tpu.memory_space<vmem>>
        %dma_start3A_299 = tpu.memref_squeeze %dma_start3A_298 : memref<1x72xi32, #tpu.memory_space<vmem>> -> memref<72xi32, #tpu.memory_space<vmem>>
        %dma_start3A_300 = arith.constant 0 : i32
        %dma_start3A_301 = arith.constant 0 : i32
        %dma_start3A_302 = tpu.memref_slice %arg3[%dma_start3A_300, %dma_start3A_301] : memref<1000000x64xf32, #tpu.memory_space<hbm>> -> memref<1000000x64xf32, #tpu.memory_space<hbm>>
        tpu.enqueue_indirect_dma source(%dma_start3A_302 : memref<1000000x64xf32, #tpu.memory_space<hbm>>) target(%dma_start3A_296 : memref<72x64xf32, #tpu.memory_space<vmem>>) offsets(%dma_start3A_299 : memref<72xi32, #tpu.memory_space<vmem>>) semaphore(%arg11 : memref<!tpu.dma_semaphore, #tpu.memory_space<semaphore_mem>>)
      } else {
      }
      %mul3A_234 = arith.constant 4 : i32
      %mul3A_235 = arith.muli %add3A_109, %mul3A_234 : i32
      %add3A_236 = arith.constant 3 : i32
      %add3A_237 = arith.addi %mul3A_235, %add3A_236 : i32
      %dma_wait3A_238 = arith.constant 0 : i32
      %dma_wait3A_239 = arith.constant 0 : i32
      %dma_wait3A_240 = tpu.memref_slice %arg9[%dma_wait3A_238, %dma_wait3A_239] : memref<200x64xf32, #tpu.memory_space<vmem>> -> memref<128x64xf32, #tpu.memory_space<vmem>>
      %dma_wait3A_241 = arith.constant 0 : i32
      %dma_wait3A_242 = tpu.memref_slice %arg5[%add3A_237, %dma_wait3A_241] : memref<32x200xi32, #tpu.memory_space<vmem>> -> memref<1x128xi32, #tpu.memory_space<vmem>>
      %dma_wait3A_243 = tpu.memref_squeeze %dma_wait3A_242 : memref<1x128xi32, #tpu.memory_space<vmem>> -> memref<128xi32, #tpu.memory_space<vmem>>
      %dma_wait3A_244 = arith.constant 0 : i32
      %dma_wait3A_245 = arith.constant 0 : i32
      %dma_wait3A_246 = tpu.memref_slice %arg3[%dma_wait3A_244, %dma_wait3A_245] : memref<1000000x64xf32, #tpu.memory_space<hbm>> -> memref<1000000x64xf32, #tpu.memory_space<hbm>>
      tpu.wait_indirect_dma semaphore(%arg13 : memref<!tpu.dma_semaphore, #tpu.memory_space<semaphore_mem>>) src(%dma_wait3A_246 : memref<1000000x64xf32, #tpu.memory_space<hbm>>) dst(%dma_wait3A_240 : memref<128x64xf32, #tpu.memory_space<vmem>>)
      %dma_wait3A_247 = arith.constant 128 : i32
      %dma_wait3A_248 = arith.constant 0 : i32
      %dma_wait3A_249 = tpu.memref_slice %arg9[%dma_wait3A_247, %dma_wait3A_248] : memref<200x64xf32, #tpu.memory_space<vmem>> -> memref<72x64xf32, #tpu.memory_space<vmem>>
      %dma_wait3A_250 = arith.constant 128 : i32
      %dma_wait3A_251 = tpu.memref_slice %arg5[%add3A_237, %dma_wait3A_250] : memref<32x200xi32, #tpu.memory_space<vmem>> -> memref<1x72xi32, #tpu.memory_space<vmem>>
      %dma_wait3A_252 = tpu.memref_squeeze %dma_wait3A_251 : memref<1x72xi32, #tpu.memory_space<vmem>> -> memref<72xi32, #tpu.memory_space<vmem>>
      %dma_wait3A_253 = arith.constant 0 : i32
      %dma_wait3A_254 = arith.constant 0 : i32
      %dma_wait3A_255 = tpu.memref_slice %arg3[%dma_wait3A_253, %dma_wait3A_254] : memref<1000000x64xf32, #tpu.memory_space<hbm>> -> memref<1000000x64xf32, #tpu.memory_space<hbm>>
      tpu.wait_indirect_dma semaphore(%arg13 : memref<!tpu.dma_semaphore, #tpu.memory_space<semaphore_mem>>) src(%dma_wait3A_255 : memref<1000000x64xf32, #tpu.memory_space<hbm>>) dst(%dma_wait3A_249 : memref<72x64xf32, #tpu.memory_space<vmem>>)
      %parallel_loop3A_256 = arith.constant 0 : i32
      %parallel_loop3A_257 = arith.constant 800 : i32
      %parallel_loop3A_258 = arith.constant 1 : i32
      scf.for %parallel_loop3A_277 = %parallel_loop3A_256 to %parallel_loop3A_257 step %parallel_loop3A_258  : i32 {
        %parallel_loop3A_278 = arith.constant 2 : i32
        %parallel_loop3A_279 = arith.shrsi %parallel_loop3A_277, %parallel_loop3A_278 : i32
        %parallel_loop3A_280 = arith.constant 3 : i32
        %parallel_loop3A_281 = arith.andi %parallel_loop3A_277, %parallel_loop3A_280 : i32
        %parallel_loop3A_282 = arith.constant 16 : i32
        %parallel_loop3A_283 = arith.muli %parallel_loop3A_281, %parallel_loop3A_282 : i32
        %parallel_loop3A_284 = arith.index_cast %parallel_loop3A_279 : i32 to index
        %parallel_loop3A_285 = arith.index_cast %parallel_loop3A_283 : i32 to index
        %parallel_loop3A_286 = tpu.vector_load %arg9[%parallel_loop3A_284, %parallel_loop3A_285] {strides = array<i32>} : memref<200x64xf32, #tpu.memory_space<vmem>>, vector<1x16xf32>,
        %parallel_loop3A_287 = vector.shape_cast %parallel_loop3A_286 : vector<1x16xf32> to vector<16xf32>
        %parallel_loop3A_288 = arith.constant 8.000000e+00 : f32
        %parallel_loop3A_289 = vector.broadcast %parallel_loop3A_288 : f32 to vector<16xf32>
        %parallel_loop3A_290 = arith.mulf %parallel_loop3A_287, %parallel_loop3A_289 : vector<16xf32>
        %parallel_loop3A_291 = arith.index_cast %parallel_loop3A_279 : i32 to index
        %parallel_loop3A_292 = arith.index_cast %parallel_loop3A_283 : i32 to index
        %parallel_loop3A_293 = tpu.vector_load %arg9[%parallel_loop3A_291, %parallel_loop3A_292] {strides = array<i32>} : memref<200x64xf32, #tpu.memory_space<vmem>>, vector<1x16xf32>,
        %parallel_loop3A_294 = vector.shape_cast %parallel_loop3A_293 : vector<1x16xf32> to vector<16xf32>
        %parallel_loop3A_295 = vector.shape_cast %parallel_loop3A_290 : vector<16xf32> to vector<1x16xf32>
        tpu.vector_store %arg9[%parallel_loop3A_291, %parallel_loop3A_292], %parallel_loop3A_295 {strides = array<i32>} : memref<200x64xf32, #tpu.memory_space<vmem>>, vector<1x16xf32>,
      } {sc.loop_unroll_factor = 8 : i64, sc.parallel_access}
      %add3A_259 = arith.addi %mul3A_2, %add3A_237 : i32
      %dma_start3A_260 = arith.constant 0 : i32
      %dma_start3A_261 = arith.constant 0 : i32
      %dma_start3A_262 = tpu.memref_slice %arg4[%add3A_259, %dma_start3A_260, %dma_start3A_261] : memref<1024x200x64xf32, #tpu.memory_space<hbm>> -> memref<1x200x64xf32, #tpu.memory_space<hbm>>
      %dma_start3A_263 = tpu.memref_squeeze %dma_start3A_262 : memref<1x200x64xf32, #tpu.memory_space<hbm>> -> memref<200x64xf32, #tpu.memory_space<hbm>>
      %dma_start3A_264 = arith.constant 0 : i32
      %dma_start3A_265 = arith.constant 0 : i32
      %dma_start3A_266 = tpu.memref_slice %arg4[%add3A_259, %dma_start3A_264, %dma_start3A_265] : memref<1024x200x64xf32, #tpu.memory_space<hbm>> -> memref<1x200x64xf32, #tpu.memory_space<hbm>>
      %dma_start3A_267 = tpu.memref_squeeze %dma_start3A_266 : memref<1x200x64xf32, #tpu.memory_space<hbm>> -> memref<200x64xf32, #tpu.memory_space<hbm>>
      tpu.enqueue_dma source(%arg9 : memref<200x64xf32, #tpu.memory_space<vmem>>) target(%dma_start3A_267 : memref<200x64xf32, #tpu.memory_space<hbm>>) target_semaphore(%arg17 : memref<!tpu.dma_semaphore, #tpu.memory_space<semaphore_mem>>)
      %add3A_268 = arith.constant 4 : i32
      %add3A_269 = arith.addi %add3A_237, %add3A_268 : i32
      %sub3A_270 = arith.constant 1 : i32
      %sub3A_271 = arith.subi %add3A_269, %sub3A_270 : i32
      %lt3A_272 = arith.constant 32 : i32
      %lt3A_273 = arith.cmpi slt, %sub3A_271, %lt3A_272 : i32
      %convert_element_type3A_274 = arith.extui %lt3A_273 : i1 to i32
      %cond3A_275 = arith.constant 0 : i32
      %cond3A_276 = arith.cmpi ne, %convert_element_type3A_274, %cond3A_275 : i32
      scf.if %cond3A_276 {
        %ge3A = arith.constant 1 : i32
        %ge3A_277 = arith.cmpi sge, %add3A_237, %ge3A : i32
        %convert_element_type3A_278 = arith.extui %ge3A_277 : i1 to i32
        %cond3A_279 = arith.constant 0 : i32
        %cond3A_280 = arith.cmpi ne, %convert_element_type3A_278, %cond3A_279 : i32
        scf.if %cond3A_280 {
          %sub3A_303 = arith.constant 1 : i32
          %sub3A_304 = arith.subi %add3A_237, %sub3A_303 : i32
          %add3A_305 = arith.addi %mul3A_2, %sub3A_304 : i32
          %dma_wait3A_306 = arith.constant 0 : i32
          %dma_wait3A_307 = arith.constant 0 : i32
          %dma_wait3A_308 = tpu.memref_slice %arg4[%add3A_305, %dma_wait3A_306, %dma_wait3A_307] : memref<1024x200x64xf32, #tpu.memory_space<hbm>> -> memref<1x200x64xf32, #tpu.memory_space<hbm>>
          %dma_wait3A_309 = tpu.memref_squeeze %dma_wait3A_308 : memref<1x200x64xf32, #tpu.memory_space<hbm>> -> memref<200x64xf32, #tpu.memory_space<hbm>>
          %dma_wait3A_310 = arith.constant 0 : i32
          %dma_wait3A_311 = arith.constant 0 : i32
          %dma_wait3A_312 = tpu.memref_slice %arg4[%add3A_305, %dma_wait3A_310, %dma_wait3A_311] : memref<1024x200x64xf32, #tpu.memory_space<hbm>> -> memref<1x200x64xf32, #tpu.memory_space<hbm>>
          %dma_wait3A_313 = tpu.memref_squeeze %dma_wait3A_312 : memref<1x200x64xf32, #tpu.memory_space<hbm>> -> memref<200x64xf32, #tpu.memory_space<hbm>>
          tpu.wait_dma2 semaphore(%arg16 : memref<!tpu.dma_semaphore, #tpu.memory_space<semaphore_mem>>) src(%arg8 : memref<200x64xf32, #tpu.memory_space<vmem>>) dst(%dma_wait3A_313 : memref<200x64xf32, #tpu.memory_space<hbm>>)
        } else {
        }
        %add3A_281 = arith.constant 4 : i32
        %add3A_282 = arith.addi %add3A_237, %add3A_281 : i32
        %sub3A_283 = arith.constant 1 : i32
        %sub3A_284 = arith.subi %add3A_282, %sub3A_283 : i32
        %dma_start3A_285 = arith.constant 0 : i32
        %dma_start3A_286 = arith.constant 0 : i32
        %dma_start3A_287 = tpu.memref_slice %arg8[%dma_start3A_285, %dma_start3A_286] : memref<200x64xf32, #tpu.memory_space<vmem>> -> memref<128x64xf32, #tpu.memory_space<vmem>>
        %dma_start3A_288 = arith.constant 0 : i32
        %dma_start3A_289 = tpu.memref_slice %arg5[%sub3A_284, %dma_start3A_288] : memref<32x200xi32, #tpu.memory_space<vmem>> -> memref<1x128xi32, #tpu.memory_space<vmem>>
        %dma_start3A_290 = tpu.memref_squeeze %dma_start3A_289 : memref<1x128xi32, #tpu.memory_space<vmem>> -> memref<128xi32, #tpu.memory_space<vmem>>
        %dma_start3A_291 = arith.constant 0 : i32
        %dma_start3A_292 = arith.constant 0 : i32
        %dma_start3A_293 = tpu.memref_slice %arg3[%dma_start3A_291, %dma_start3A_292] : memref<1000000x64xf32, #tpu.memory_space<hbm>> -> memref<1000000x64xf32, #tpu.memory_space<hbm>>
        tpu.enqueue_indirect_dma source(%dma_start3A_293 : memref<1000000x64xf32, #tpu.memory_space<hbm>>) target(%dma_start3A_287 : memref<128x64xf32, #tpu.memory_space<vmem>>) offsets(%dma_start3A_290 : memref<128xi32, #tpu.memory_space<vmem>>) semaphore(%arg12 : memref<!tpu.dma_semaphore, #tpu.memory_space<semaphore_mem>>)
        %dma_start3A_294 = arith.constant 128 : i32
        %dma_start3A_295 = arith.constant 0 : i32
        %dma_start3A_296 = tpu.memref_slice %arg8[%dma_start3A_294, %dma_start3A_295] : memref<200x64xf32, #tpu.memory_space<vmem>> -> memref<72x64xf32, #tpu.memory_space<vmem>>
        %dma_start3A_297 = arith.constant 128 : i32
        %dma_start3A_298 = tpu.memref_slice %arg5[%sub3A_284, %dma_start3A_297] : memref<32x200xi32, #tpu.memory_space<vmem>> -> memref<1x72xi32, #tpu.memory_space<vmem>>
        %dma_start3A_299 = tpu.memref_squeeze %dma_start3A_298 : memref<1x72xi32, #tpu.memory_space<vmem>> -> memref<72xi32, #tpu.memory_space<vmem>>
        %dma_start3A_300 = arith.constant 0 : i32
        %dma_start3A_301 = arith.constant 0 : i32
        %dma_start3A_302 = tpu.memref_slice %arg3[%dma_start3A_300, %dma_start3A_301] : memref<1000000x64xf32, #tpu.memory_space<hbm>> -> memref<1000000x64xf32, #tpu.memory_space<hbm>>
        tpu.enqueue_indirect_dma source(%dma_start3A_302 : memref<1000000x64xf32, #tpu.memory_space<hbm>>) target(%dma_start3A_296 : memref<72x64xf32, #tpu.memory_space<vmem>>) offsets(%dma_start3A_299 : memref<72xi32, #tpu.memory_space<vmem>>) semaphore(%arg12 : memref<!tpu.dma_semaphore, #tpu.memory_space<semaphore_mem>>)
      } else {
      }
    }
    %scan3A_65 = arith.constant 8 : i32
    %add3A_66 = arith.constant 28 : i32
    %add3A_67 = arith.addi %mul3A_2, %add3A_66 : i32
    %dma_wait3A = arith.constant 0 : i32
    %dma_wait3A_68 = arith.constant 0 : i32
    %dma_wait3A_69 = tpu.memref_slice %arg4[%add3A_67, %dma_wait3A, %dma_wait3A_68] : memref<1024x200x64xf32, #tpu.memory_space<hbm>> -> memref<1x200x64xf32, #tpu.memory_space<hbm>>
    %dma_wait3A_70 = tpu.memref_squeeze %dma_wait3A_69 : memref<1x200x64xf32, #tpu.memory_space<hbm>> -> memref<200x64xf32, #tpu.memory_space<hbm>>
    %dma_wait3A_71 = arith.constant 0 : i32
    %dma_wait3A_72 = arith.constant 0 : i32
    %dma_wait3A_73 = tpu.memref_slice %arg4[%add3A_67, %dma_wait3A_71, %dma_wait3A_72] : memref<1024x200x64xf32, #tpu.memory_space<hbm>> -> memref<1x200x64xf32, #tpu.memory_space<hbm>>
    %dma_wait3A_74 = tpu.memref_squeeze %dma_wait3A_73 : memref<1x200x64xf32, #tpu.memory_space<hbm>> -> memref<200x64xf32, #tpu.memory_space<hbm>>
    tpu.wait_dma2 semaphore(%arg14 : memref<!tpu.dma_semaphore, #tpu.memory_space<semaphore_mem>>) src(%arg6 : memref<200x64xf32, #tpu.memory_space<vmem>>) dst(%dma_wait3A_74 : memref<200x64xf32, #tpu.memory_space<hbm>>)
    %add3A_75 = arith.constant 29 : i32
    %add3A_76 = arith.addi %mul3A_2, %add3A_75 : i32
    %dma_wait3A_77 = arith.constant 0 : i32
    %dma_wait3A_78 = arith.constant 0 : i32
    %dma_wait3A_79 = tpu.memref_slice %arg4[%add3A_76, %dma_wait3A_77, %dma_wait3A_78] : memref<1024x200x64xf32, #tpu.memory_space<hbm>> -> memref<1x200x64xf32, #tpu.memory_space<hbm>>
    %dma_wait3A_80 = tpu.memref_squeeze %dma_wait3A_79 : memref<1x200x64xf32, #tpu.memory_space<hbm>> -> memref<200x64xf32, #tpu.memory_space<hbm>>
    %dma_wait3A_81 = arith.constant 0 : i32
    %dma_wait3A_82 = arith.constant 0 : i32
    %dma_wait3A_83 = tpu.memref_slice %arg4[%add3A_76, %dma_wait3A_81, %dma_wait3A_82] : memref<1024x200x64xf32, #tpu.memory_space<hbm>> -> memref<1x200x64xf32, #tpu.memory_space<hbm>>
    %dma_wait3A_84 = tpu.memref_squeeze %dma_wait3A_83 : memref<1x200x64xf32, #tpu.memory_space<hbm>> -> memref<200x64xf32, #tpu.memory_space<hbm>>
    tpu.wait_dma2 semaphore(%arg15 : memref<!tpu.dma_semaphore, #tpu.memory_space<semaphore_mem>>) src(%arg7 : memref<200x64xf32, #tpu.memory_space<vmem>>) dst(%dma_wait3A_84 : memref<200x64xf32, #tpu.memory_space<hbm>>)
    %add3A_85 = arith.constant 30 : i32
    %add3A_86 = arith.addi %mul3A_2, %add3A_85 : i32
    %dma_wait3A_87 = arith.constant 0 : i32
    %dma_wait3A_88 = arith.constant 0 : i32
    %dma_wait3A_89 = tpu.memref_slice %arg4[%add3A_86, %dma_wait3A_87, %dma_wait3A_88] : memref<1024x200x64xf32, #tpu.memory_space<hbm>> -> memref<1x200x64xf32, #tpu.memory_space<hbm>>
    %dma_wait3A_90 = tpu.memref_squeeze %dma_wait3A_89 : memref<1x200x64xf32, #tpu.memory_space<hbm>> -> memref<200x64xf32, #tpu.memory_space<hbm>>
    %dma_wait3A_91 = arith.constant 0 : i32
    %dma_wait3A_92 = arith.constant 0 : i32
    %dma_wait3A_93 = tpu.memref_slice %arg4[%add3A_86, %dma_wait3A_91, %dma_wait3A_92] : memref<1024x200x64xf32, #tpu.memory_space<hbm>> -> memref<1x200x64xf32, #tpu.memory_space<hbm>>
    %dma_wait3A_94 = tpu.memref_squeeze %dma_wait3A_93 : memref<1x200x64xf32, #tpu.memory_space<hbm>> -> memref<200x64xf32, #tpu.memory_space<hbm>>
    tpu.wait_dma2 semaphore(%arg16 : memref<!tpu.dma_semaphore, #tpu.memory_space<semaphore_mem>>) src(%arg8 : memref<200x64xf32, #tpu.memory_space<vmem>>) dst(%dma_wait3A_94 : memref<200x64xf32, #tpu.memory_space<hbm>>)
    %add3A_95 = arith.constant 31 : i32
    %add3A_96 = arith.addi %mul3A_2, %add3A_95 : i32
    %dma_wait3A_97 = arith.constant 0 : i32
    %dma_wait3A_98 = arith.constant 0 : i32
    %dma_wait3A_99 = tpu.memref_slice %arg4[%add3A_96, %dma_wait3A_97, %dma_wait3A_98] : memref<1024x200x64xf32, #tpu.memory_space<hbm>> -> memref<1x200x64xf32, #tpu.memory_space<hbm>>
    %dma_wait3A_100 = tpu.memref_squeeze %dma_wait3A_99 : memref<1x200x64xf32, #tpu.memory_space<hbm>> -> memref<200x64xf32, #tpu.memory_space<hbm>>
    %dma_wait3A_101 = arith.constant 0 : i32
    %dma_wait3A_102 = arith.constant 0 : i32
    %dma_wait3A_103 = tpu.memref_slice %arg4[%add3A_96, %dma_wait3A_101, %dma_wait3A_102] : memref<1024x200x64xf32, #tpu.memory_space<hbm>> -> memref<1x200x64xf32, #tpu.memory_space<hbm>>
    %dma_wait3A_104 = tpu.memref_squeeze %dma_wait3A_103 : memref<1x200x64xf32, #tpu.memory_space<hbm>> -> memref<200x64xf32, #tpu.memory_space<hbm>>
    tpu.wait_dma2 semaphore(%arg17 : memref<!tpu.dma_semaphore, #tpu.memory_space<semaphore_mem>>) src(%arg9 : memref<200x64xf32, #tpu.memory_space<vmem>>) dst(%dma_wait3A_104 : memref<200x64xf32, #tpu.memory_space<hbm>>)
    return
  }
}

</mosaic_0001>

<sc_bundles>
// kernel: kernel.3.cloned.1.call-start
scs
__scs_entry_jumppad:
0x0: {  	(pc) =	sbr.rel $0x88, $3  }
0x1: {  	(tag) =	ssettag $0x0;
	lr =	simm.s32 $0x1  }
0x2: {  	[smem:$0x3F9F] =	sst lr;
	_ =	strace $0xD0000000  }
0x3: {  	_ = 	snop  }
0x4: {  	_ = 	snop  }
0x5: {  	_ = 	snop  }
0x6: {  	_ = 	snop  }
0x7: {  	_ = 	snop  }
__scs_overlays_trampoline_lowered:
0x8: {  	[smem:$0x3FAE] =	sst s0  }
0x9: {  	[smem:$0x3FAF] =	sst s1  }
0xa: {  	[smem:$0x3FB0] =	sst s2  }
0xb: {  	[smem:$0x3FB1] =	sst s3  }
0xc: {  	[smem:$0x3FB2] =	sst s4  }
0xd: {  	[smem:$0x3FB3] =	sst s5  }
0xe: {  	[smem:$0x3FB4] =	sst s6  }
0xf: {  	[smem:$0x3FB5] =	sst s7  }
0x10: {  	[smem:$0x3FB6] =	sst s8  }
0x11: {  	[smem:$0x3FB7] =	sst s9;
	s0 =	simm.s32 @!p0 $0x0  }
0x12: {  	s1 =	sld [smem:$0x3F9D];
	s0 =	simm.s32 @p0 $0x1  }
0x13: {  	[smem:$0x3FB8] =	sst s0;
	s0 =	simm.s32 @!p1 $0x0  }
0x14: {  	s2 =	sld [smem:$0x3F9C];
	s0 =	simm.s32 @p1 $0x1  }
0x15: {  	[smem:$0x3FB9] =	sst s0;
	s0 =	simm.s32 @!p2 $0x0  }
0x16: {  	s3 =	sld [smem:$0x3FDB];
	s0 =	simm.s32 @p2 $0x1  }
0x17: {  	s4 =	simm.s32 $0x1BF5;
	[smem:$0x3FBB] =	sst s0  }
0x18: {  	s0 =	sld [smem:$0x3F9E];
	_ =	swait.ge [sflag:s4], $0x0  }
0x19: {  	s7 =	sld [smem:$0x3F9F]  }
0x1a: {  	s8 =	sadd.s32 $0xFFFFE003, lr  }
0x1b: {  	s9 =	sadd.s32 $0xFFFFFEF7, lr;
	s5 =	simm.s32 $0xFFFFFFFF;
	p2 =	slt.u32 s8, $0xFFFFF086  }
0x1c: {  	p1 =	slt.u32 s9, $0xF7A;
	s5 =	simm.s32 @!p2 $0x0  }
0x1d: {  	s5 =	simm.s32 @p1 $0x1;
	p0 =	seq.s32 s7, s2  }
0x1e: {  	s7 =	smul.u32 @!p0 $0xF7A, s2;
	p2 =	seq.s32 @!p0 s5, $0x0  }
0x1f: {  	s9 =	smul.u32 $0xF7A, s1;
	s8 =	simm.s32 @!p0 $0x1BF5;
	p2 =	por !p2, p0  }
0x20: {  	[sflag:s8] =	ssyncset.s32 @!p0 $0xFFFFF086;
	s6 =	sadd.s32 @!p0 s3, s7;
	s7 =	simm.s32 @!p0 $0x108  }
0x21: {  	s3 =	sadd.s32 s3, s9;
	s6 =	sadd.s32 @!p0 $0x88, s6;
	s7 =	simm.s32 @p2 $0x1082  }
0x22: {  	[simem:s7], [sflag:s8] =	dma.local @!p0 [hbm:s6], $0xF7A  }
0x23: {  	s9 =	sor.u32 $0xD0000000, s2;
	s6 =	simm.s32 $0x108;
	_ =	swait.ge @!p0 [sflag:s8], $0x0  }
0x24: {  	s3 =	sadd.s32 $0x88, s3;
	s6 =	simm.s32 @!p1 $0x1082;
	[sflag:s4] =	ssyncset.s32 $0xFFFFF086  }
0x25: {  	[simem:s6], [sflag:s4] =	dma.local [hbm:s3], $0xF7A  }
0x26: {  	[smem:$0x3F9F] =	sst s1;
	(tag) =	ssettag s2;
	_ =	strace s9  }
0x27: {  	s1 =	sld [smem:$0x3FAF]  }
0x28: {  	s2 =	sld [smem:$0x3FB0]  }
0x29: {  	s4 =	sld [smem:$0x3FB2]  }
0x2a: {  	p0 =	seq.s32 s5, $0x0;
	s5 =	sld [smem:$0x3FB3]  }
0x2b: {  	s6 =	sld [smem:$0x3FB4]  }
0x2c: {  	s7 =	sld [smem:$0x3FB5]  }
0x2d: {  	s3 =	simm.s32 $0x108;
	s8 =	sld [smem:$0x3FB6]  }
0x2e: {  	s3 =	simm.s32 @!p0 $0x1082;
	s9 =	sld [smem:$0x3FB7]  }
0x2f: {  	lr =	sadd.s32 s0, s3;
	s0 =	sld [smem:$0x3FAE]  }
0x30: {  	s3 =	sld [smem:$0x3FB1]  }
0x31: {  	[smem:$0x3FBA] =	sst s10  }
0x32: {  	s10 =	sld [smem:$0x3FB8];
	_ =	sdelay $0x3  }
0x33: {  	p0 =	seq.s32 s10, $0x1;
	s10 =	sld [smem:$0x3FBA];
	_ =	sdelay $0x3  }
0x34: {  	[smem:$0x3FBA] =	sst s10  }
0x35: {  	s10 =	sld [smem:$0x3FB9];
	_ =	sdelay $0x3  }
0x36: {  	p1 =	seq.s32 s10, $0x1;
	s10 =	sld [smem:$0x3FBA];
	_ =	sdelay $0x3  }
0x37: {  	[smem:$0x3FBA] =	sst s10  }
0x38: {  	s10 =	sld [smem:$0x3FBB]  }
0x39: {  	_ = 	snop;
	(pc) =	sbr.ind lr, $3  }
0x3a: {  	_ = 	snop  }
0x3b: {  	_ = 	snop  }
0x3c: {  	p2 =	seq.s32 s10, $0x1;
	s10 =	sld [smem:$0x3FBA]  }
0x3d: {  	_ =	shalt  }
0x3e: {  	_ =	shalt  }
0x3f: {  	_ =	shalt  }
0x40: {  	_ =	shalt  }
0x41: {  	_ =	shalt  }
0x42: {  	_ =	shalt  }
0x43: {  	_ =	shalt  }
0x44: {  	_ =	shalt  }
0x45: {  	_ =	shalt  }
0x46: {  	_ =	shalt  }
0x47: {  	_ =	shalt  }
0x48: {  	_ =	shalt  }
0x49: {  	_ =	shalt  }
0x4a: {  	_ =	shalt  }
0x4b: {  	_ =	shalt  }
0x4c: {  	_ =	shalt  }
0x4d: {  	_ =	shalt  }
0x4e: {  	_ =	shalt  }
0x4f: {  	_ =	shalt  }
0x50: {  	_ =	shalt  }
0x51: {  	_ =	shalt  }
0x52: {  	_ =	shalt  }
0x53: {  	_ =	shalt  }
0x54: {  	_ =	shalt  }
0x55: {  	_ =	shalt  }
0x56: {  	_ =	shalt  }
0x57: {  	_ =	shalt  }
0x58: {  	_ =	shalt  }
0x59: {  	_ =	shalt  }
0x5a: {  	_ =	shalt  }
0x5b: {  	_ =	shalt  }
0x5c: {  	_ =	shalt  }
0x5d: {  	_ =	shalt  }
0x5e: {  	_ =	shalt  }
0x5f: {  	_ =	shalt  }
0x60: {  	_ =	shalt  }
0x61: {  	_ =	shalt  }
0x62: {  	_ =	shalt  }
0x63: {  	_ =	shalt  }
0x64: {  	_ =	shalt  }
0x65: {  	_ =	shalt  }
0x66: {  	_ =	shalt  }
0x67: {  	_ =	shalt  }
0x68: {  	_ =	shalt  }
0x69: {  	_ =	shalt  }
0x6a: {  	_ =	shalt  }
0x6b: {  	_ =	shalt  }
0x6c: {  	_ =	shalt  }
0x6d: {  	_ =	shalt  }
0x6e: {  	_ =	shalt  }
0x6f: {  	_ =	shalt  }
0x70: {  	_ =	shalt  }
0x71: {  	_ =	shalt  }
0x72: {  	_ =	shalt  }
0x73: {  	_ =	shalt  }
0x74: {  	_ =	shalt  }
0x75: {  	_ =	shalt  }
0x76: {  	_ =	shalt  }
0x77: {  	_ =	shalt  }
0x78: {  	_ =	shalt  }
0x79: {  	_ =	shalt  }
0x7a: {  	_ =	shalt  }
0x7b: {  	_ =	shalt  }
0x7c: {  	_ =	shalt  }
0x7d: {  	_ =	shalt  }
0x7e: {  	_ =	shalt  }
0x7f: {  	_ =	shalt  }
0x80: {  	_ =	shalt  }
0x81: {  	_ =	shalt  }
0x82: {  	_ =	shalt  }
0x83: {  	_ =	shalt  }
0x84: {  	_ =	shalt  }
0x85: {  	_ =	shalt  }
0x86: {  	_ =	shalt  }
0x87: {  	_ =	shalt  }
.Lfunc_end0:
.L_simem_size_0:
called_computation.1_lowered:
.L_overlay_start_0:
0x88: {  	s2 =	sld [smem:$0x3FD9]  }
0x89: {  	s3 =	sld [smem:$0x3FFE];
	_ =	sdelay $0x1  }
0x8a: {  	s1 =	srdreg.scid  }
0x8b: {  	s0 =	sand.u32 $0x1, s1  }
0x8c: {  	s17 =	sshll.u32 s0, $0xA;
	s2 =	sadd.s32 s3, s2  }
0x8d: {  	s2 =	sadd.s32 s2, s17  }
0x8e: {  	[smem:$0x3FC6] =	sst s2  }
0x8f: {  	_ = 	snop  }
0x90: {  	s2 =	sld [smem:$0x3FD0];
	(tm) =	ssettm $0x1  }
0x91: {  	s18 =	sld [smem:$0x3FFB];
	_ =	sdelay $0x3  }
0x92: {  	_ =	strace s18  }
0x93: {  	s3 =	sld [smem:$0x3FFC];
	_ =	sdelay $0x3  }
0x94: {  	_ =	strace s3  }
0x95: {  	s3 =	sld [smem:$0x3FFD];
	_ =	sdelay $0x3  }
0x96: {  	_ =	strace s3  }
0x97: {  	_ =	strace $0x8FFFFFFF  }
0x98: {  	s19 =	sld [smem:$0x3FDB];
	_ =	sdelay $0x1  }
0x99: {  	s4 =	simm.s32 $_scs_section_size  }
0x9a: {  	s5 =	simm.s32 $_size__tile_overlayer_lowered;
	s6 =	simm.s32 $_tile_overlayer_lowered  }
0x9b: {  	s22 =	simm.s32 $0x1BFF;
	s21 =	sshll.u32 s6, $0x1;
	s3 =	sadd.s32 s4, s19  }
0x9c: {  	s7 =	simm.s32 $0x0;
	s20 =	sshll.u32 s5, $0x1;
	s5 =	sadd.s32 s21, s3  }
0x9d: {  	[timem:s7], [sflag:s22] =	dma.local [hbm:s5], s20  }
0x9e: {  	_ =	swait.ge [sflag:s22], s20  }
0x9f: {  	s4 =	ssub.s32 $0x0, s20;
	[sflag:s22] =	ssyncset.done $0x0  }
0xa0: {  	[sflag:s22] =	ssyncadd.s32 s4;
	_ =	sdelay $0x1  }
0xa1: {  	s23 =	simm.s32 $0x1B8B  }
0xa2: {  	_ =	swait.ge [sflag:s23], $0x1  }
0xa3: {  	[sflag:s23] =	ssyncset.done $0x0  }
0xa4: {  	s25 =	simm.s32 $0x1B8E;
	s24 =	sld [smem:$0x3FFE];
	[sflag:s23] =	ssyncadd.s32 $0xFFFFFFFF  }
0xa5: {  	s26 =	simm.s32 $execute0_lowered;
	[smem:$0x3FD2] =	sst s25  }
0xa6: {  	s5 =	sshll.u32 s26, $0x1;
	_ =	strace $0x80000046;
	[dreg:$0x1] =	wrdreg $0xFFFFFFFF  }
0xa7: {  	s28 =	simm.s32 $_size_execute0_lowered;
	s3 =	sadd.s32 s3, s5;
	[dreg:$0x0] =	wrdreg $0x0  }
0xa8: {  	s5 =	sshll.u32 s28, $0x1;
	[dreg:$0x2] =	wrdreg s3  }
0xa9: {  	[dreg:$0x3] =	wrdreg s5  }
0xaa: {  	[dreg:$0x4] =	wrdreg $0xC0  }
0xab: {  	_ =	task [dreg:s7], $0x5FFFF  }
0xac: {  	[dreg:$0x1] =	wrdreg $0xFFFFFFFF  }
0xad: {  	[dreg:$0x0] =	wrdreg $0x60  }
0xae: {  	[dreg:$0x2] =	wrdreg s24  }
0xaf: {  	[dreg:$0x3] =	wrdreg s2  }
0xb0: {  	[dreg:$0x4] =	wrdreg $0x9  }
0xb1: {  	_ =	task.clear_ibuf [dreg:s7], $0x5FFFF;
	_ =	strace $0x90000046  }
0xb2: {  	s29 =	simm.s32 $0x9;
	_ =	strace $0x80000048  }
0xb3: {  	_ =	swait.ge [sflag:s29], $0x1  }
0xb4: {  	[sflag:s29] =	ssyncadd.s32 $0xFFFFFFFF  }
0xb5: {  	_ =	strace $0x90000048  }
0xb6: {  	_ =	sfence  }
0xb7: {  	s30 =	sld [smem:$0x0];
	_ =	sdelay $0x2  }
0xb8: {  	s31 =	sshll.u32 s1, $0xD;
	s1 =	sshrl.u32 s1, $0x2  }
0xb9: {  	s3 =	sand.u32 $0x4000, s31;
	s1 =	sadd.s32 s1, s30  }
0xba: {  	s0 =	sor.u32 s3, s0;
	s1 =	sshll.u32 s1, $0x11  }
0xbb: {  	s0 =	sor.u32 s1, s0  }
0xbc: {  	s0 =	sadd.s32 $0x8F2B, s0  }
0xbd: {  	[sflag:s0] =	ssyncadd.remote.s32 $0x1  }
0xbe: {  	_ =	sfence.sel $0xFFFF  }
0xbf: {  	[dreg:$0x0] =	wrdreg $0xFFFFFFFF;
	(pc) =	sbr.abs _section_cstart, $3  }
0xc0: {  	[dreg:$0x1] =	wrdreg $0xFFFFFFFF  }
0xc1: {  	_ =	task.clear_ibuf [dreg:s7], $0x2FFFF;
	_ =	strace $0x9FFFFFFF  }
0xc2: {  	(tm) =	ssettm $0x7FFFFFFF  }
0xc3: {  	_ =	shalt  }
tec
execute0_lowered:
.L_overlay_start_1:
0x0: {  	(tag) =	ssettag $0x1  }
0x1: {  	s0 =	srdreg.scid;
	s1 =	rddreg [dreg:$0x0]  }
0x2: {  	s3 =	stileid.u32;
	s2 =	rddreg [dreg:$0x1];
	s8 =	simm.s32 $0x9  }
0x3: {  	s9 =	simm.s32 $0x80;
	s10 =	simm.s32 $0x1900;
	s11 =	simm.s32 $0x48  }
0x4: {  	s14 =	simm.s32 $0x4B00;
	s18 =	simm.s32 $0x7D00;
	s20 =	simm.s32 $0x9D00  }
0x5: {  	s21 =	simm.s32 $0x1;
	s22 =	simm.s32 $0xAF00;
	s23 =	simm.s32 $0xCF00  }
0x6: {  	s24 =	simm.s32 $0x2;
	s25 =	simm.s32 $0x3;
	s26 =	simm.s32 $0x4  }
0x7: {  	s28 =	simm.s32 $0x5;
	s29 =	simm.s32 $0x6;
	s0 =	sand.u32 $0x1, s0  }
0x8: {  	s30 =	simm.s32 $0x7;
	s3 =	sshll.u32 s3, $0x6;
	s4 =	sshll.u32 s0, $0x5  }
.Ltmp0:
0x9: {  	s0 =	ssub.s32 $0x2, s0;
	s3 =	sor.u32 s4, s3;
	(pc) =	sbr.rel .LBB2_1-.Ltmp0, $4  }
0xa: {  	s4 =	simm.s32 $0x0;
	s6 =	sshrl.u32 s0, $0x1;
	s5 =	smul.u32 $0x19, s3  }
0xb: {  	s31 =	simm.s32 $0x8;
	[smem:$0x7FF] =	sst s4;
	s0 =	ssub.s32 s0, s6  }
0xc: {  	_ =	strace $0x80000047;
	s7 =	sadd.s32 s5, s1;
	s5 =	sadd.s32 $0xF42E00, s1  }
0xd: {  	s1 =	simm.s32 $0x0;
	s6 =	sadd.s32 $0xA00, s7;
	s7 =	smax.u32 s0, $0x1  }
.LBB2_12:
0xe: {  	_ =	swait.ge [sflag:s28], $0x3200  }
0xf: {  	[sflag:s28] =	ssyncset.done $0x0  }
0x10: {  	[sflag:s28] =	ssyncadd.s32 $0xFFFFCE00  }
0x11: {  	_ =	swait.ge [sflag:s29], $0x3200  }
0x12: {  	[sflag:s29] =	ssyncset.done $0x0  }
0x13: {  	s1 =	sadd.s32 $0x1, s1;
	[sflag:s29] =	ssyncadd.s32 $0xFFFFCE00  }
0x14: {  	p0 =	sne.s32 s1, s7;
	_ =	swait.ge [sflag:s30], $0x3200  }
.Ltmp1:
0x15: {  	[sflag:s30] =	ssyncset.done $0x0;
	(pc) =	sbr.rel @!p0 .LBB2_13-.Ltmp1, $4  }
0x16: {  	[sflag:s30] =	ssyncadd.s32 $0xFFFFCE00  }
0x17: {  	_ =	swait.ge [sflag:s31], $0x3200  }
0x18: {  	[sflag:s31] =	ssyncset.done $0x0  }
0x19: {  	[sflag:s31] =	ssyncadd.s32 $0xFFFFCE00  }
.LBB2_1:
0x1a: {  	[tilespmem:s4], [sflag:$0x9] =	stream.linear.gather [hbm4b:s6+s4], $0x1900, $0x38;
	[tilespmem:$0xE100] =	vst v63  }
0x1b: {  	_ =	swait.ge [sflag:s8], $0x1900  }
0x1c: {  	[sflag:s8] =	ssyncset.done $0x0  }
0x1d: {  	[sflag:s8] =	ssyncadd.s32 $0xFFFFE700  }
0x1e: {  	[tilespmem:s10], [sflag:$0x1] =	stream.indirect.gather [hbm4b:s5+s9], $0x40, s4, s9, $0xb8;
	[tilespmem:$0xE100] =	vst v63  }
0x1f: {  	s0 =	simm.s32 $0x3900  }
0x20: {  	[tilespmem:s0], [sflag:$0x1] =	stream.indirect.gather [hbm4b:s5+s11], $0x40, s9, s11, $0xb8;
	[tilespmem:$0xE100] =	vst v63  }
0x21: {  	s15 =	simm.s32 $0xC8  }
0x22: {  	[tilespmem:s14], [sflag:$0x2] =	stream.indirect.gather [hbm4b:s5+s9], $0x40, s15, s9, $0xb8;
	[tilespmem:$0xE100] =	vst v63  }
0x23: {  	s16 =	simm.s32 $0x148;
	s12 =	simm.s32 $0x6B00  }
0x24: {  	[tilespmem:s12], [sflag:$0x2] =	stream.indirect.gather [hbm4b:s5+s11], $0x40, s16, s11, $0xb8;
	[tilespmem:$0xE100] =	vst v63  }
0x25: {  	s17 =	simm.s32 $0x190  }
0x26: {  	[tilespmem:s18], [sflag:$0x3] =	stream.indirect.gather [hbm4b:s5+s9], $0x40, s17, s9, $0xb8;
	[tilespmem:$0xE100] =	vst v63  }
0x27: {  	s19 =	simm.s32 $0x210;
	s0 =	simm.s32 $0x0  }
0x28: {  	[tilespmem:s20], [sflag:$0x3] =	stream.indirect.gather [hbm4b:s5+s11], $0x40, s19, s11, $0xb8;
	[tilespmem:$0xE100] =	vst v63  }
.LBB2_2:
0x29: {  	_ =	swait.ge [sflag:s21], $0x2000  }
0x2a: {  	[sflag:s21] =	ssyncset.done $0x0  }
0x2b: {  	[sflag:s21] =	ssyncadd.s32 $0xFFFFE000  }
0x2c: {  	_ =	swait.ge [sflag:s21], $0x1200  }
0x2d: {  	[sflag:s21] =	ssyncset.done $0x0  }
0x2e: {  	s12 =	simm.s32 $0x1940;
	[sflag:s21] =	ssyncadd.s32 $0xFFFFEE00  }
0x2f: {  	v1 =	vld [tilespmem:s12+$0x30]  }
0x30: {  	v3 =	vld [tilespmem:s12+$0xFFFFFFD0]  }
0x31: {  	v6 =	vld [tilespmem:s12+$0xFFFFFFE0]  }
0x32: {  	v4 =	vld [tilespmem:s12+$0xFFFFFFF0]  }
0x33: {  	v2 =	vld [tilespmem:s12+$0x0]  }
0x34: {  	v0 =	vld [tilespmem:s12+$0x10];
	v7 =	vmul.f32 $8.000000000e+00, v1  }
0x35: {  	v1 =	vld [tilespmem:s12+$0x20];
	v5 =	vmul.f32 $8.000000000e+00, v3  }
0x36: {  	s13 =	simm.s32 $0x0;
	s15 =	simm.s32 $0x19C0;
	v3 =	vld [tilespmem:s12+$0xFFFFFFC0];
	v6 =	vmul.f32 $8.000000000e+00, v6;
	[tilespmem:s12+$0x30] =	vst v7  }
.LBB2_3:
0x37: {  	v7 =	vld [tilespmem:s15+$0x30];
	s13 =	sadd.s32 $0x8, s13;
	[tilespmem:s12+$0xFFFFFFD0] =	vst v5;
	v4 =	vmul.f32 $8.000000000e+00, v4  }
0x38: {  	v5 =	vld [tilespmem:s15+$0xFFFFFFD0];
	p0 =	slt.u32 s13, $0x318;
	[tilespmem:s12+$0xFFFFFFE0] =	vst v6;
	v2 =	vmul.f32 $8.000000000e+00, v2  }
0x39: {  	v6 =	vld [tilespmem:s15+$0xFFFFFFE0];
	[tilespmem:s12+$0xFFFFFFF0] =	vst v4;
	v0 =	vmul.f32 $8.000000000e+00, v0  }
.Ltmp2:
0x3a: {  	v4 =	vld [tilespmem:s15+$0xFFFFFFF0];
	[tilespmem:s12+$0x0] =	vst v2;
	v1 =	vmul.f32 $8.000000000e+00, v1;
	(pc) =	sbr.rel @p0 .LBB2_3-.Ltmp2, $4  }
0x3b: {  	v2 =	vld [tilespmem:s15+$0x0];
	v3 =	vmul.f32 $8.000000000e+00, v3;
	[tilespmem:s12+$0x10] =	vst v0  }
0x3c: {  	v0 =	vld [tilespmem:s15+$0x10];
	v7 =	vmul.f32 $8.000000000e+00, v7;
	[tilespmem:s12+$0x20] =	vst v1  }
0x3d: {  	v5 =	vmul.f32 $8.000000000e+00, v5;
	v1 =	vld [tilespmem:s15+$0x20];
	[tilespmem:s12+$0xFFFFFFC0] =	vst v3;
	s12 =	smov.u32 s15  }
0x3e: {  	s15 =	sadd.s32 $0x80, s15;
	v3 =	vld [tilespmem:s12+$0xFFFFFFC0];
	v6 =	vmul.f32 $8.000000000e+00, v6;
	[tilespmem:s12+$0x30] =	vst v7  }
0x3f: {  	[tilespmem:s12+$0xFFFFFFD0] =	vst v5;
	v4 =	vmul.f32 $8.000000000e+00, v4  }
0x40: {  	[tilespmem:s12+$0xFFFFFFE0] =	vst v6;
	v2 =	vmul.f32 $8.000000000e+00, v2  }
0x41: {  	s13 =	sshll.u32 s0, $0x2;
	[tilespmem:s12+$0xFFFFFFF0] =	vst v4;
	v0 =	vmul.f32 $8.000000000e+00, v0  }
0x42: {  	s15 =	sadd.s32 s3, s13;
	[tilespmem:s12+$0x0] =	vst v2;
	v1 =	vmul.f32 $8.000000000e+00, v1  }
0x43: {  	s15 =	smul.u32 $0x640, s15;
	v2 =	vmul.f32 $8.000000000e+00, v3;
	[tilespmem:s12+$0x10] =	vst v0  }
0x44: {  	p0 =	seq.s32 s0, $0x0;
	[tilespmem:s12+$0x20] =	vst v1  }
0x45: {  	s17 =	sadd.s32 s2, s15;
	s15 =	simm.s32 @!p0 $0x8;
	[tilespmem:s12+$0xFFFFFFC0] =	vst v2;
	s12 =	sshllo.u32 s0, $0x2  }
0x46: {  	[hbm4b:s17+s4] =	stream.linear.scatter [tilespmem:s10], [sflag:$0x5], $0x3200, $0x38;
	[tilespmem:$0xE100] =	vst v63  }
0x47: {  	s16 =	smul.u32 $0x320, s12;
	_ =	swait.ge @!p0 [sflag:s15], $0x3200  }
0x48: {  	[sflag:s15] =	ssyncset.done @!p0 $0x0  }
0x49: {  	s19 =	sshra.s32 s16, $0x2;
	[sflag:s15] =	ssyncadd.s32 @!p0 $0xFFFFCE00  }
0x4a: {  	[tilespmem:s22], [sflag:$0x4] =	stream.indirect.gather [hbm4b:s5+s9], $0x40, s19, s9, $0xb8;
	[tilespmem:$0xE100] =	vst v63  }
0x4b: {  	s15 =	sadd.s32 $0x80, s19  }
0x4c: {  	[tilespmem:s23], [sflag:$0x4] =	stream.indirect.gather [hbm4b:s5+s11], $0x40, s15, s11, $0xb8;
	[tilespmem:$0xE100] =	vst v63  }
0x4d: {  	_ =	swait.ge [sflag:s24], $0x2000  }
0x4e: {  	[sflag:s24] =	ssyncset.done $0x0  }
0x4f: {  	[sflag:s24] =	ssyncadd.s32 $0xFFFFE000  }
0x50: {  	_ =	swait.ge [sflag:s24], $0x1200  }
0x51: {  	[sflag:s24] =	ssyncset.done $0x0  }
0x52: {  	s15 =	simm.s32 $0x4B40;
	[sflag:s24] =	ssyncadd.s32 $0xFFFFEE00  }
0x53: {  	v1 =	vld [tilespmem:s15+$0x30]  }
0x54: {  	v3 =	vld [tilespmem:s15+$0xFFFFFFD0]  }
0x55: {  	v6 =	vld [tilespmem:s15+$0xFFFFFFE0]  }
0x56: {  	v4 =	vld [tilespmem:s15+$0xFFFFFFF0]  }
0x57: {  	v2 =	vld [tilespmem:s15+$0x0]  }
0x58: {  	v0 =	vld [tilespmem:s15+$0x10];
	v7 =	vmul.f32 $8.000000000e+00, v1  }
0x59: {  	v1 =	vld [tilespmem:s15+$0x20];
	v5 =	vmul.f32 $8.000000000e+00, v3  }
0x5a: {  	s17 =	simm.s32 $0x4BC0;
	s16 =	simm.s32 $0x0;
	v3 =	vld [tilespmem:s15+$0xFFFFFFC0];
	v6 =	vmul.f32 $8.000000000e+00, v6;
	[tilespmem:s15+$0x30] =	vst v7  }
.LBB2_5:
0x5b: {  	v7 =	vld [tilespmem:s17+$0x30];
	s16 =	sadd.s32 $0x8, s16;
	[tilespmem:s15+$0xFFFFFFD0] =	vst v5;
	v4 =	vmul.f32 $8.000000000e+00, v4  }
0x5c: {  	v5 =	vld [tilespmem:s17+$0xFFFFFFD0];
	p0 =	slt.u32 s16, $0x318;
	[tilespmem:s15+$0xFFFFFFE0] =	vst v6;
	v2 =	vmul.f32 $8.000000000e+00, v2  }
0x5d: {  	v6 =	vld [tilespmem:s17+$0xFFFFFFE0];
	[tilespmem:s15+$0xFFFFFFF0] =	vst v4;
	v0 =	vmul.f32 $8.000000000e+00, v0  }
.Ltmp3:
0x5e: {  	v4 =	vld [tilespmem:s17+$0xFFFFFFF0];
	[tilespmem:s15+$0x0] =	vst v2;
	v1 =	vmul.f32 $8.000000000e+00, v1;
	(pc) =	sbr.rel @p0 .LBB2_5-.Ltmp3, $4  }
0x5f: {  	v2 =	vld [tilespmem:s17+$0x0];
	v3 =	vmul.f32 $8.000000000e+00, v3;
	[tilespmem:s15+$0x10] =	vst v0  }
0x60: {  	v0 =	vld [tilespmem:s17+$0x10];
	v7 =	vmul.f32 $8.000000000e+00, v7;
	[tilespmem:s15+$0x20] =	vst v1  }
0x61: {  	v5 =	vmul.f32 $8.000000000e+00, v5;
	v1 =	vld [tilespmem:s17+$0x20];
	[tilespmem:s15+$0xFFFFFFC0] =	vst v3;
	s15 =	smov.u32 s17  }
0x62: {  	s17 =	sadd.s32 $0x80, s17;
	v3 =	vld [tilespmem:s15+$0xFFFFFFC0];
	v6 =	vmul.f32 $8.000000000e+00, v6;
	[tilespmem:s15+$0x30] =	vst v7  }
0x63: {  	[tilespmem:s15+$0xFFFFFFD0] =	vst v5;
	v4 =	vmul.f32 $8.000000000e+00, v4  }
0x64: {  	[tilespmem:s15+$0xFFFFFFE0] =	vst v6;
	v2 =	vmul.f32 $8.000000000e+00, v2  }
0x65: {  	s13 =	sadd.s32 s13, s3;
	[tilespmem:s15+$0xFFFFFFF0] =	vst v4;
	v0 =	vmul.f32 $8.000000000e+00, v0  }
0x66: {  	s13 =	smul.u32 $0x640, s13;
	[tilespmem:s15+$0x0] =	vst v2;
	v1 =	vmul.f32 $8.000000000e+00, v1  }
0x67: {  	v2 =	vmul.f32 $8.000000000e+00, v3;
	[tilespmem:s15+$0x10] =	vst v0  }
0x68: {  	p0 =	seq.s32 s0, $0x7;
	s13 =	sadd.s32 s2, s13;
	[tilespmem:s15+$0x20] =	vst v1  }
0x69: {  	s19 =	sadd.s32 $0x640, s13;
	[tilespmem:s15+$0xFFFFFFC0] =	vst v2;
	s15 =	simm.s32 @!p0 $0x5  }
0x6a: {  	[hbm4b:s19+s4] =	stream.linear.scatter [tilespmem:s14], [sflag:$0x6], $0x3200, $0x38;
	[tilespmem:$0xE100] =	vst v63  }
0x6b: {  	s16 =	smul.u32 @!p0 $0xC80, s0;
	_ =	swait.ge @!p0 [sflag:s15], $0x3200  }
0x6c: {  	[sflag:s15] =	ssyncset.done @!p0 $0x0  }
0x6d: {  	[sflag:s15] =	ssyncadd.s32 @!p0 $0xFFFFCE00;
	s15 =	sshra.s32 @!p0 s16, $0x2  }
0x6e: {  	s17 =	simm.s32 @!p0 $0x80;
	s19 =	simm.s32 @!p0 $0x1900;
	s16 =	sadd.s32 @!p0 $0x320, s15  }
0x6f: {  	[tilespmem:s19], [sflag:$0x1] =	stream.indirect.gather @!p0 [hbm4b:s5+s17], $0x40, s16, s17, $0xb8;
	[tilespmem:$0xE100] =	vst v63  }
0x70: {  	s16 =	sadd.s32 @!p0 $0x3A0, s15;
	s17 =	simm.s32 @!p0 $0x48;
	s19 =	simm.s32 @!p0 $0x3900  }
0x71: {  	[tilespmem:s19], [sflag:$0x1] =	stream.indirect.gather @!p0 [hbm4b:s5+s17], $0x40, s16, s17, $0xb8;
	[tilespmem:$0xE100] =	vst v63  }
0x72: {  	_ =	swait.ge [sflag:s25], $0x2000  }
0x73: {  	[sflag:s25] =	ssyncset.done $0x0  }
0x74: {  	[sflag:s25] =	ssyncadd.s32 $0xFFFFE000  }
0x75: {  	_ =	swait.ge [sflag:s25], $0x1200  }
0x76: {  	[sflag:s25] =	ssyncset.done $0x0  }
0x77: {  	s16 =	simm.s32 $0x7D40;
	[sflag:s25] =	ssyncadd.s32 $0xFFFFEE00  }
0x78: {  	v2 =	vld [tilespmem:s16+$0x30]  }
0x79: {  	v4 =	vld [tilespmem:s16+$0xFFFFFFD0]  }
0x7a: {  	v6 =	vld [tilespmem:s16+$0xFFFFFFE0]  }
0x7b: {  	v3 =	vld [tilespmem:s16+$0xFFFFFFF0]  }
0x7c: {  	v1 =	vld [tilespmem:s16+$0x0]  }
0x7d: {  	v0 =	vld [tilespmem:s16+$0x10];
	v7 =	vmul.f32 $8.000000000e+00, v2  }
0x7e: {  	v2 =	vld [tilespmem:s16+$0x20];
	v5 =	vmul.f32 $8.000000000e+00, v4  }
0x7f: {  	s17 =	simm.s32 $0x0;
	s19 =	simm.s32 $0x7DC0;
	v4 =	vld [tilespmem:s16+$0xFFFFFFC0];
	v6 =	vmul.f32 $8.000000000e+00, v6;
	[tilespmem:s16+$0x30] =	vst v7  }
.LBB2_7:
0x80: {  	v7 =	vld [tilespmem:s19+$0x30];
	s17 =	sadd.s32 $0x8, s17;
	[tilespmem:s16+$0xFFFFFFD0] =	vst v5;
	v3 =	vmul.f32 $8.000000000e+00, v3  }
0x81: {  	v5 =	vld [tilespmem:s19+$0xFFFFFFD0];
	p1 =	slt.u32 s17, $0x318;
	[tilespmem:s16+$0xFFFFFFE0] =	vst v6;
	v1 =	vmul.f32 $8.000000000e+00, v1  }
0x82: {  	v6 =	vld [tilespmem:s19+$0xFFFFFFE0];
	[tilespmem:s16+$0xFFFFFFF0] =	vst v3;
	v0 =	vmul.f32 $8.000000000e+00, v0  }
.Ltmp4:
0x83: {  	v3 =	vld [tilespmem:s19+$0xFFFFFFF0];
	[tilespmem:s16+$0x0] =	vst v1;
	v2 =	vmul.f32 $8.000000000e+00, v2;
	(pc) =	sbr.rel @p1 .LBB2_7-.Ltmp4, $4  }
0x84: {  	v1 =	vld [tilespmem:s19+$0x0];
	v4 =	vmul.f32 $8.000000000e+00, v4;
	[tilespmem:s16+$0x10] =	vst v0  }
0x85: {  	v0 =	vld [tilespmem:s19+$0x10];
	v7 =	vmul.f32 $8.000000000e+00, v7;
	[tilespmem:s16+$0x20] =	vst v2  }
0x86: {  	v5 =	vmul.f32 $8.000000000e+00, v5;
	v2 =	vld [tilespmem:s19+$0x20];
	[tilespmem:s16+$0xFFFFFFC0] =	vst v4;
	s16 =	smov.u32 s19  }
0x87: {  	s19 =	sadd.s32 $0x80, s19;
	v4 =	vld [tilespmem:s16+$0xFFFFFFC0];
	v6 =	vmul.f32 $8.000000000e+00, v6;
	[tilespmem:s16+$0x30] =	vst v7  }
0x88: {  	[tilespmem:s16+$0xFFFFFFD0] =	vst v5;
	v3 =	vmul.f32 $8.000000000e+00, v3  }
0x89: {  	[tilespmem:s16+$0xFFFFFFE0] =	vst v6;
	v1 =	vmul.f32 $8.000000000e+00, v1  }
0x8a: {  	[tilespmem:s16+$0xFFFFFFF0] =	vst v3;
	v0 =	vmul.f32 $8.000000000e+00, v0  }
0x8b: {  	[tilespmem:s16+$0x0] =	vst v1;
	v1 =	vmul.f32 $8.000000000e+00, v2  }
0x8c: {  	v2 =	vmul.f32 $8.000000000e+00, v4;
	[tilespmem:s16+$0x10] =	vst v0  }
0x8d: {  	[tilespmem:s16+$0x20] =	vst v1  }
0x8e: {  	s13 =	sadd.s32 $0xC80, s13;
	[tilespmem:s16+$0xFFFFFFC0] =	vst v2  }
0x8f: {  	[hbm4b:s13+s4] =	stream.linear.scatter [tilespmem:s18], [sflag:$0x7], $0x3200, $0x38;
	[tilespmem:$0xE100] =	vst v63  }
0x90: {  	s13 =	simm.s32 @!p0 $0x6  }
0x91: {  	_ =	swait.ge @!p0 [sflag:s13], $0x3200  }
0x92: {  	s17 =	simm.s32 @!p0 $0x4B00;
	[sflag:s13] =	ssyncset.done @!p0 $0x0  }
0x93: {  	s16 =	simm.s32 @!p0 $0x80;
	[sflag:s13] =	ssyncadd.s32 @!p0 $0xFFFFCE00;
	s13 =	sadd.s32 @!p0 $0x3E8, s15  }
0x94: {  	[tilespmem:s17], [sflag:$0x2] =	stream.indirect.gather @!p0 [hbm4b:s5+s16], $0x40, s13, s16, $0xb8;
	[tilespmem:$0xE100] =	vst v63  }
0x95: {  	s13 =	sadd.s32 @!p0 $0x468, s15;
	s15 =	simm.s32 @!p0 $0x48;
	s16 =	simm.s32 @!p0 $0x6B00  }
0x96: {  	[tilespmem:s16], [sflag:$0x2] =	stream.indirect.gather @!p0 [hbm4b:s5+s15], $0x40, s13, s15, $0xb8;
	[tilespmem:$0xE100] =	vst v63  }
0x97: {  	_ =	swait.ge [sflag:s26], $0x2000  }
0x98: {  	[sflag:s26] =	ssyncset.done $0x0  }
0x99: {  	[sflag:s26] =	ssyncadd.s32 $0xFFFFE000  }
0x9a: {  	_ =	swait.ge [sflag:s26], $0x1200  }
0x9b: {  	[sflag:s26] =	ssyncset.done $0x0  }
0x9c: {  	s13 =	simm.s32 $0xAF40;
	[sflag:s26] =	ssyncadd.s32 $0xFFFFEE00  }
0x9d: {  	v2 =	vld [tilespmem:s13+$0x30]  }
0x9e: {  	v4 =	vld [tilespmem:s13+$0xFFFFFFD0]  }
0x9f: {  	v6 =	vld [tilespmem:s13+$0xFFFFFFE0]  }
0xa0: {  	v3 =	vld [tilespmem:s13+$0xFFFFFFF0]  }
0xa1: {  	v1 =	vld [tilespmem:s13+$0x0]  }
0xa2: {  	v0 =	vld [tilespmem:s13+$0x10];
	v7 =	vmul.f32 $8.000000000e+00, v2  }
0xa3: {  	v2 =	vld [tilespmem:s13+$0x20];
	v5 =	vmul.f32 $8.000000000e+00, v4  }
0xa4: {  	s15 =	simm.s32 $0x0;
	s16 =	simm.s32 $0xAFC0;
	v4 =	vld [tilespmem:s13+$0xFFFFFFC0];
	v6 =	vmul.f32 $8.000000000e+00, v6;
	[tilespmem:s13+$0x30] =	vst v7  }
.LBB2_9:
0xa5: {  	v7 =	vld [tilespmem:s16+$0x30];
	s15 =	sadd.s32 $0x8, s15;
	[tilespmem:s13+$0xFFFFFFD0] =	vst v5;
	v3 =	vmul.f32 $8.000000000e+00, v3  }
0xa6: {  	v5 =	vld [tilespmem:s16+$0xFFFFFFD0];
	p1 =	slt.u32 s15, $0x318;
	[tilespmem:s13+$0xFFFFFFE0] =	vst v6;
	v1 =	vmul.f32 $8.000000000e+00, v1  }
0xa7: {  	v6 =	vld [tilespmem:s16+$0xFFFFFFE0];
	[tilespmem:s13+$0xFFFFFFF0] =	vst v3;
	v0 =	vmul.f32 $8.000000000e+00, v0  }
.Ltmp5:
0xa8: {  	v3 =	vld [tilespmem:s16+$0xFFFFFFF0];
	[tilespmem:s13+$0x0] =	vst v1;
	v2 =	vmul.f32 $8.000000000e+00, v2;
	(pc) =	sbr.rel @p1 .LBB2_9-.Ltmp5, $4  }
0xa9: {  	v1 =	vld [tilespmem:s16+$0x0];
	v4 =	vmul.f32 $8.000000000e+00, v4;
	[tilespmem:s13+$0x10] =	vst v0  }
0xaa: {  	v0 =	vld [tilespmem:s16+$0x10];
	v7 =	vmul.f32 $8.000000000e+00, v7;
	[tilespmem:s13+$0x20] =	vst v2  }
0xab: {  	v5 =	vmul.f32 $8.000000000e+00, v5;
	v2 =	vld [tilespmem:s16+$0x20];
	[tilespmem:s13+$0xFFFFFFC0] =	vst v4;
	s13 =	smov.u32 s16  }
0xac: {  	s16 =	sadd.s32 $0x80, s16;
	v4 =	vld [tilespmem:s13+$0xFFFFFFC0];
	v6 =	vmul.f32 $8.000000000e+00, v6;
	[tilespmem:s13+$0x30] =	vst v7  }
0xad: {  	[tilespmem:s13+$0xFFFFFFD0] =	vst v5;
	v3 =	vmul.f32 $8.000000000e+00, v3  }
0xae: {  	[tilespmem:s13+$0xFFFFFFE0] =	vst v6;
	v1 =	vmul.f32 $8.000000000e+00, v1  }
0xaf: {  	[tilespmem:s13+$0xFFFFFFF0] =	vst v3;
	v0 =	vmul.f32 $8.000000000e+00, v0  }
.Ltmp6:
0xb0: {  	s12 =	sadd.s32 s3, s12;
	[tilespmem:s13+$0x0] =	vst v1;
	v62 =	vmul.f32 $8.000000000e+00, v2;
	(pc) =	sbr.rel @p0 .LBB2_12-.Ltmp6, $4  }
0xb1: {  	s12 =	smul.u32 $0x640, s12;
	v63 =	vmul.f32 $8.000000000e+00, v4;
	[tilespmem:s13+$0x10] =	vst v0  }
0xb2: {  	[tilespmem:s13+$0x20] =	vst v62  }
0xb3: {  	s12 =	sadd.s32 s2, s12;
	[tilespmem:s13+$0xFFFFFFC0] =	vst v63  }
0xb4: {  	[hbm4b:s12+s4] =	stream.linear.scatter [tilespmem:s22], [sflag:$0x8], $0x3200, $0x38;
	[tilespmem:$0xE100] =	vst v63  }
0xb5: {  	s12 =	smul.u32 $0xC80, s0  }
0xb6: {  	_ =	swait.ge [sflag:s30], $0x3200  }
.Ltmp7:
0xb7: {  	[sflag:s30] =	ssyncset.done $0x0;
	s12 =	sshra.s32 s12, $0x2;
	(pc) =	sbr.rel .LBB2_2-.Ltmp7, $4  }
0xb8: {  	[sflag:s30] =	ssyncadd.s32 $0xFFFFCE00;
	s13 =	sadd.s32 $0x4B0, s12  }
0xb9: {  	[tilespmem:s18], [sflag:$0x3] =	stream.indirect.gather [hbm4b:s5+s9], $0x40, s13, s9, $0xb8;
	[tilespmem:$0xE100] =	vst v63  }
0xba: {  	s0 =	sadd.s32 $0x1, s0;
	s12 =	sadd.s32 $0x530, s12  }
0xbb: {  	[tilespmem:s20], [sflag:$0x3] =	stream.indirect.gather [hbm4b:s5+s11], $0x40, s12, s11, $0xb8;
	[tilespmem:$0xE100] =	vst v63  }
.LBB2_13:
0xbc: {  	_ =	sfence.sel $0x180000  }
0xbd: {  	[bflag:$0x0] =	sbarrier.arrive $0xFFFF  }
0xbe: {  	_ =	strace $0x90000047  }
0xbf: {  	s0 =	stileid.u32;
	[bflag:$0x2] =	sbarrier.arrive $0xFFFF  }
0xc0: {  	p0 =	sne.s32 s0, $0x0;
	s0 =	rddreg [dreg:$0x2]  }
0xc1: {  	s0 =	sadd.s32 @!p0 $0x100000, s0  }
0xc2: {  	[sflag:s0] =	ssyncadd.tile.s32 @!p0 $0x1;
	_ =	shalt  }
.Lfunc_end2:
_tile_overlayer_lowered:
.L_overlay_start_2:
0xc3: {  	(tag) =	ssettag $0x2  }
0xc4: {  	s0 =	rddreg [dreg:$0x0];
	s2 =	stileid.u32  }
0xc5: {  	s1 =	rddreg [dreg:$0x1];
	p0 =	sne.s32 s2, $0x0  }
0xc6: {  	s3 =	rddreg [dreg:$0x2];
	[bflag:$0x3] =	sbarrier.arrive $0xFFFF;
	s2 =	simm.s32 @!p0 $0x1C09  }
0xc7: {  	[timem:s3], [sflag:s2] =	dma.local @!p0 [hbm:s0], s1  }
0xc8: {  	s0 =	simm.s32 @!p0 $0x9  }
0xc9: {  	_ =	swait.ge @!p0 [sflag:s0], s1  }
0xca: {  	s1 =	ssub.s32 @!p0 $0x0, s1;
	[sflag:s0] =	ssyncset.done @!p0 $0x0  }
0xcb: {  	[sflag:s0] =	ssyncadd.s32 @!p0 s1  }
0xcc: {  	[bflag:$0x3] =	sbarrier.arrive $0xFFFF  }
0xcd: {  	_ =	shalt  }

// kernel: sparse-core-data-format-call.cloned.1.call-start
scs
called_computation_lowered:
.L_overlay_start_0:
0x0: {  	s2 =	sld [smem:$0x3FD9]  }
0x1: {  	s3 =	sld [smem:$0x3FFE];
	_ =	sdelay $0x1  }
0x2: {  	s1 =	srdreg.scid  }
0x3: {  	s0 =	sand.u32 $0x1, s1  }
0x4: {  	s18 =	sshll.u32 s0, $0xA;
	s2 =	sadd.s32 s3, s2  }
0x5: {  	s2 =	sadd.s32 s2, s18  }
0x6: {  	[smem:$0x3FC6] =	sst s2  }
0x7: {  	_ = 	snop  }
0x8: {  	s2 =	sld [smem:$0x3FD0];
	(tm) =	ssettm $0x1  }
0x9: {  	s19 =	sld [smem:$0x3FFB];
	_ =	sdelay $0x3  }
0xa: {  	_ =	strace s19  }
0xb: {  	s3 =	sld [smem:$0x3FFC];
	_ =	sdelay $0x3  }
0xc: {  	_ =	strace s3  }
0xd: {  	s3 =	sld [smem:$0x3FFD];
	_ =	sdelay $0x3  }
0xe: {  	_ =	strace s3  }
0xf: {  	_ =	strace $0x8FFFFFFF  }
0x10: {  	s20 =	sld [smem:$0x3FDB];
	_ =	sdelay $0x1  }
0x11: {  	s4 =	simm.s32 $_scs_section_size  }
0x12: {  	s5 =	simm.s32 $_size__tile_overlayer_lowered;
	s6 =	simm.s32 $_tile_overlayer_lowered  }
0x13: {  	s23 =	simm.s32 $0x1BFF;
	s22 =	sshll.u32 s6, $0x1;
	s3 =	sadd.s32 s4, s20  }
0x14: {  	s7 =	simm.s32 $0x0;
	s21 =	sshll.u32 s5, $0x1;
	s5 =	sadd.s32 s22, s3  }
0x15: {  	[timem:s7], [sflag:s23] =	dma.local [hbm:s5], s21  }
0x16: {  	_ =	swait.ge [sflag:s23], s21  }
0x17: {  	s4 =	ssub.s32 $0x0, s21;
	[sflag:s23] =	ssyncset.done $0x0  }
0x18: {  	[sflag:s23] =	ssyncadd.s32 s4;
	_ =	sdelay $0x1  }
0x19: {  	s24 =	simm.s32 $0x1B8B  }
0x1a: {  	_ =	swait.ge [sflag:s24], $0x1  }
0x1b: {  	[sflag:s24] =	ssyncset.done $0x0  }
0x1c: {  	s26 =	simm.s32 $0x1B8E;
	s25 =	sld [smem:$0x3FFE];
	[sflag:s24] =	ssyncadd.s32 $0xFFFFFFFF  }
0x1d: {  	s27 =	simm.s32 $execute0_lowered;
	[smem:$0x3FD2] =	sst s26  }
0x1e: {  	s5 =	sshll.u32 s27, $0x1;
	_ =	strace $0x80000049;
	[dreg:$0x1] =	wrdreg $0xFFFFFFFF  }
0x1f: {  	s28 =	simm.s32 $_size_execute0_lowered;
	s3 =	sadd.s32 s3, s5;
	[dreg:$0x0] =	wrdreg $0x0  }
0x20: {  	s5 =	sshll.u32 s28, $0x1;
	[dreg:$0x2] =	wrdreg s3  }
0x21: {  	[dreg:$0x3] =	wrdreg s5  }
0x22: {  	[dreg:$0x4] =	wrdreg $0xC0  }
0x23: {  	_ =	task [dreg:s7], $0x5FFFF  }
0x24: {  	[dreg:$0x1] =	wrdreg $0xFFFFFFFF  }
0x25: {  	[dreg:$0x0] =	wrdreg $0x60  }
0x26: {  	[dreg:$0x2] =	wrdreg s25  }
0x27: {  	[dreg:$0x3] =	wrdreg s2  }
0x28: {  	[dreg:$0x4] =	wrdreg $0x9  }
0x29: {  	_ =	task.clear_ibuf [dreg:s7], $0x5FFFF;
	_ =	strace $0x90000049  }
0x2a: {  	s29 =	simm.s32 $0x9;
	_ =	strace $0x8000004B  }
0x2b: {  	_ =	swait.ge [sflag:s29], $0x1  }
0x2c: {  	[sflag:s29] =	ssyncadd.s32 $0xFFFFFFFF  }
0x2d: {  	_ =	strace $0x9000004B  }
0x2e: {  	_ =	sfence  }
0x2f: {  	s30 =	sld [smem:$0x0];
	_ =	sdelay $0x2  }
0x30: {  	s31 =	sshll.u32 s1, $0xD;
	s1 =	sshrl.u32 s1, $0x2  }
0x31: {  	s3 =	sand.u32 $0x4000, s31;
	s1 =	sadd.s32 s1, s30  }
0x32: {  	s0 =	sor.u32 s3, s0;
	s1 =	sshll.u32 s1, $0x11  }
0x33: {  	s0 =	sor.u32 s1, s0  }
0x34: {  	s0 =	sadd.s32 $0x8F2B, s0  }
0x35: {  	[sflag:s0] =	ssyncadd.remote.s32 $0x1  }
0x36: {  	_ =	sfence.sel $0xFFFF  }
0x37: {  	[dreg:$0x0] =	wrdreg $0xFFFFFFFF;
	(pc) =	sbr.abs _section_cstart, $3  }
0x38: {  	[dreg:$0x1] =	wrdreg $0xFFFFFFFF  }
0x39: {  	_ =	task.clear_ibuf [dreg:s7], $0x2FFFF;
	_ =	strace $0x9FFFFFFF  }
0x3a: {  	(tm) =	ssettm $0x7FFFFFFF  }
0x3b: {  	_ =	shalt  }
tec
execute0_lowered:
.L_overlay_start_1:
0x0: {  	(tag) =	ssettag $0x1  }
0x1: {  	s0 =	stileid.u32;
	s6 =	rddreg [dreg:$0x0]  }
0x2: {  	s2 =	rddreg [dreg:$0x1];
	s5 =	srdreg.scid  }
0x3: {  	s31 =	simm.s32 $0x2;
	s13 =	simm.s32 $0x0;
	s1 =	sshll.u32 s0, $0x7  }
0x4: {  	s14 =	simm.s32 $0x0;
	s12 =	simm.s32 $0x0;
	s3 =	sand.u32 $0x380, s1  }
0x5: {  	s5 =	sshll.u32 s5, $0x4;
	s6 =	sadd.s32 $0xA00, s6;
	s4 =	ssub.s32 $0x400, s3  }
0x6: {  	s1 =	rddreg [dreg:$0x2];
	_ =	strace $0x8000004A;
	s7 =	sand.u32 $0x380, s4  }
0x7: {  	s5 =	sand.u32 $0x10, s5;
	p0 =	sne.s32 s7, $0x0;
	s7 =	simm.s32 $0x1  }
.Ltmp0:
0x8: {  	s8 =	sshrl.u32 s4, $0xA;
	s7 =	simm.s32 @!p0 $0x0;
	(pc) =	sbr.rel .LBB1_1-.Ltmp0, $4  }
0x9: {  	s9 =	sor.u32 s0, s5;
	s4 =	simm.s32 $0x1;
	s30 =	sadd.s32 s7, s8  }
0xa: {  	s11 =	smov.u32 s3;
	[sflag:s4] =	ssyncpa.u1 $0x0;
	s5 =	smul.u32 $0x32, s30  }
0xb: {  	[sflag:s31] =	ssyncpa.u1 $0x0;
	p0 =	por $0x0, $0x0;
	s7 =	sshrl.u32 s9, $0x3  }
0xc: {  	s9 =	simm.s32 $0x2000;
	s10 =	smov.u32 s7;
	s8 =	sor.u32 $0x1, s5  }
.LBB1_4:
0xd: {  	s17 =	sand.u32 $0x1F80, s14;
	s13 =	sshll.u32 s13, $0xD  }
0xe: {  	[tilespmem:s16+$0x810 ss:$0x81] =	vst.msk $0xffff, v2;
	s18 =	sshrl.u32 s14, $0x3;
	s31 =	sand.u32 $0x7, s14;
	s17 =	sadd.s32 s2, s17  }
0xf: {  	[tilespmem:s16+$0x1020 ss:$0x81] =	vst.msk $0xffff, v0;
	s18 =	sand.u32 $0xF, s18;
	s14 =	sshll.u32 s31, $0x12;
	s13 =	sadd.s32 s13, s17  }
0x10: {  	[tilespmem:s16+$0x0 ss:$0x81] =	vst.msk $0xffff, v1;
	s14 =	sor.u32 $0x400, s14;
	s13 =	sadd.s32 s18, s13  }
0x11: {  	[hbm4b:s13+s14] =	stream.strided.scatter [tilespmem:s15], [sflag:$0x2], $0x2000, s9, s14, $0x20;
	[tilespmem:$0x8080] =	vst v63  }
.LBB1_5:
0x12: {  	s15 =	sadd.s32 $0x4, s10  }
0x13: {  	s13 =	sadd.s32 $0x400, s11;
	s17 =	smov.u32 s11;
	p2 =	sgt.s32 s15, $0xC7  }
0x14: {  	s17 =	smov.u32 @p2 s13  }
0x15: {  	s15 =	smov.u32 @p2 s7;
	p2 =	sgt.s32 s17, $0x3FF  }
0x16: {  	s17 =	smov.u32 @p2 s3;
	p2 =	sne.s32 s12, s8  }
.Ltmp1:
0x17: {  	p1 =	slt.u32 s12, $0x2;
	(pc) =	sbr.rel @!p2 .LBB1_6-.Ltmp1, $4  }
0x18: {  	s16 =	simm.s32 @!p1 $0x2  }
0x19: {  	s14 =	smov.u32 s11;
	p0 =	por !p0, !p0;
	_ =	swait.ge @!p1 [sflag:s16], $0x2000  }
0x1a: {  	s13 =	smov.u32 s10;
	[sflag:s16] =	ssyncset.done @!p1 $0x0;
	s10 =	smov.u32 s15  }
0x1b: {  	s12 =	sadd.s32 $0x1, s12;
	[sflag:s16] =	ssyncadd.s32 @!p1 $0xFFFFE000;
	s11 =	smov.u32 s17  }
.LBB1_1:
0x1c: {  	p1 =	sge.u32 s12, s5  }
0x1d: {  	s15 =	sand.u32 @!p1 $0x1FFFFFF, s10  }
0x1e: {  	s16 =	smulhi.u32 @!p1 $0x147AE15, s15;
	_ =	sdelay $0x1  }
0x1f: {  	s16 =	smul.u32 @!p1 $0xC8, s16  }
0x20: {  	s17 =	sxor.u32 @!p1 $0xFFFFFFFF, s12;
	s18 =	smul.u32 @!p1 $0xC80, s11  }
0x21: {  	s31 =	sadd.s32 $0xFFFFFFFF, s12;
	s17 =	sshll.u32 @!p1 s17, $0xD;
	s15 =	ssub.s32 @!p1 s15, s16  }
0x22: {  	s16 =	sand.u32 @!p1 $0x2000, s17;
	s17 =	sadd.s32 @!p1 s6, s18;
	s15 =	sshll.u32 @!p1 s15, $0x4  }
0x23: {  	s18 =	simm.s32 @!p1 $0x6400;
	s15 =	sadd.s32 @!p1 s15, s17;
	s17 =	simm.s32 @!p1 $0x40  }
0x24: {  	[tilespmem:s16], [sflag:$0x1] =	stream.strided.gather @!p1 [hbm4b:s15+s17], $0x2000, s18, s17, $0x38;
	[tilespmem:$0x8080] =	vst v63  }
0x25: {  	p1 =	sge.u32 s31, s5  }
.Ltmp2:
0x26: {  	_ = 	snop;
	(pc) =	sbr.rel @p1 .LBB1_5-.Ltmp2, $1  }
0x27: {  	_ =	sdelay $0x3  }
0x28: {  	s15 =	simm.s32 $0x1  }
0x29: {  	_ =	swait.ge [sflag:s4], $0x2000;
	s15 =	simm.s32 @!p0 $0x0  }
0x2a: {  	[sflag:s4] =	ssyncset.done $0x0;
	s16 =	sshll.u32 s15, $0xD  }
0x2b: {  	[sflag:s4] =	ssyncadd.s32 $0xFFFFE000;
	s19 =	sor.u32 $0x20, s16  }
0x2c: {  	s15 =	smul.u32 $0x8100, s15;
	v3 =	vld [tilespmem:s19+$0x10]  }
0x2d: {  	s30 =	sand.u32 $0x1, s12;
	v2 =	vld [tilespmem:s19+$0xFFFFFFF0]  }
0x2e: {  	s16 =	smul.u32 $0x8100, s30;
	s15 =	sshrl.u32 s15, $0x2;
	v0 =	vld [tilespmem:s19+$0x0]  }
0x2f: {  	v1 =	vld [tilespmem:s19+$0xFFFFFFE0];
	s17 =	sor.u32 $0x4000, s15  }
0x30: {  	s31 =	sshrl.u32 s16, $0x2;
	s16 =	sadd.s32 $0x0, s17  }
0x31: {  	s18 =	simm.s32 $0x4;
	s19 =	sadd.s32 $0x40, s19;
	s15 =	sor.u32 $0x4000, s31;
	[tilespmem:s16+$0x1830 ss:$0x81] =	vst.msk $0xffff, v3  }
.LBB1_3:
0x32: {  	v3 =	vld [tilespmem:s19+$0x10];
	p1 =	sne.s32 s18, $0x1FC;
	[tilespmem:s16+$0x810 ss:$0x81] =	vst.msk $0xffff, v2;
	s20 =	smov.u32 s18;
	s18 =	sadd.s32 $0x4, s18  }
.Ltmp3:
0x33: {  	v2 =	vld [tilespmem:s19+$0xFFFFFFF0];
	[tilespmem:s16+$0x1020 ss:$0x81] =	vst.msk $0xffff, v0;
	(pc) =	sbr.rel @p1 .LBB1_3-.Ltmp3, $4  }
0x34: {  	v0 =	vld [tilespmem:s19+$0x0];
	[tilespmem:s16+$0x0 ss:$0x81] =	vst.msk $0xffff, v1  }
0x35: {  	s16 =	sshra.s32 s20, $0x2;
	v1 =	vld [tilespmem:s19+$0xFFFFFFE0]  }
0x36: {  	s16 =	sadd.s32 s16, s17  }
0x37: {  	s19 =	sadd.s32 $0x40, s19;
	[tilespmem:s16+$0x1830 ss:$0x81] =	vst.msk $0xffff, v3  }
.Ltmp4:
0x38: {  	_ = 	snop;
	(pc) =	sbr.rel .LBB1_4-.Ltmp4, $1  }
0x39: {  	_ =	sdelay $0x3  }
.LBB1_6:
0x3a: {  	_ =	sfence.sel $0x180000  }
0x3b: {  	s2 =	simm.s32 $0x1;
	[bflag:$0x0] =	sbarrier.arrive $0xFFFF  }
0x3c: {  	s31 =	simm.s32 $0x2;
	[sflag:s2] =	ssyncpa.u1 $0x1  }
0x3d: {  	[sflag:s31] =	ssyncpa.u1 $0x1  }
0x3e: {  	p0 =	sne.s32 s0, $0x0;
	_ =	strace $0x9000004A  }
0x3f: {  	s0 =	sadd.s32 @!p0 $0x100000, s1;
	[bflag:$0x2] =	sbarrier.arrive $0xFFFF  }
0x40: {  	[sflag:s0] =	ssyncadd.tile.s32 @!p0 $0x1;
	_ =	shalt  }
.Lfunc_end1:
_tile_overlayer_lowered:
.L_overlay_start_2:
0x41: {  	(tag) =	ssettag $0x2  }
0x42: {  	s0 =	rddreg [dreg:$0x0];
	s2 =	stileid.u32  }
0x43: {  	s1 =	rddreg [dreg:$0x1];
	p0 =	sne.s32 s2, $0x0  }
0x44: {  	s3 =	rddreg [dreg:$0x2];
	[bflag:$0x3] =	sbarrier.arrive $0xFFFF;
	s2 =	simm.s32 @!p0 $0x1C01  }
0x45: {  	[timem:s3], [sflag:s2] =	dma.local @!p0 [hbm:s0], s1  }
0x46: {  	s0 =	simm.s32 @!p0 $0x1  }
0x47: {  	_ =	swait.ge @!p0 [sflag:s0], s1  }
0x48: {  	s1 =	ssub.s32 @!p0 $0x0, s1;
	[sflag:s0] =	ssyncset.done @!p0 $0x0  }
0x49: {  	[sflag:s0] =	ssyncadd.s32 @!p0 s1  }
0x4a: {  	[bflag:$0x3] =	sbarrier.arrive $0xFFFF  }
0x4b: {  	_ =	shalt  }

</sc_bundles>
